<compile_context>
chip_gen: v7x
topology: tpu7x:2x2x1
jax: 0.10.2.dev20260603
libtpu: 0.0.44.dev20260713+nightly
codegen_flags: <defaults>
</compile_context>

<pallas_src>
import jax
import jax.numpy as jnp
from jax import lax
from jax.experimental import pallas as pl
from jax.experimental.pallas import tpu as pltpu
from jax.experimental.pallas import tpu_sc as plsc

VOCAB = 100000
HIDDEN = 128

NC = 2
NS = 16
NW = NC * NS

BATCH = 4096
SEQ = 50
N_TOKENS = BATCH * SEQ
IDX_COLS = 128
N_IDX_ROWS = N_TOKENS // IDX_COLS
ROWS_PER_W = N_IDX_ROWS // NW

RING = 5
DEPTH = 2
N_GROUPS = ROWS_PER_W // RING


def _body(tab_hbm, ids_hbm, out_hbm, idx_v, rows_v, gsem, wsem):
    c = lax.axis_index("c")
    s = lax.axis_index("s")
    wid = s * NC + c
    row0 = wid * ROWS_PER_W

    pltpu.sync_copy(ids_hbm.at[wid], idx_v)

    def out_ref(j):
        return out_hbm.at[pl.ds((row0 + j) * IDX_COLS, IDX_COLS)]

    def start_gather(j, b):
        pltpu.make_async_copy(tab_hbm.at[idx_v.at[j]], rows_v.at[b], gsem.at[b]).start()

    def wait_gather(j, b):
        pltpu.make_async_copy(tab_hbm.at[idx_v.at[j]], rows_v.at[b], gsem.at[b]).wait()

    def start_wb(j, b):
        pltpu.make_async_copy(rows_v.at[b], out_ref(j), wsem.at[b]).start()

    def wait_wb(j, b):
        pltpu.make_async_copy(rows_v.at[b], out_ref(j), wsem.at[b]).wait()

    for j in range(DEPTH):
        start_gather(j, j)

    for b in range(RING):
        j = b
        wait_gather(j, b)
        start_wb(j, b)
        jn = j + DEPTH
        bn = jn % RING
        if jn >= RING:
            wait_wb(jn - RING, bn)
        start_gather(jn, bn)

    def group(g, carry):
        for b in range(RING):
            j = g * RING + b
            bn = (b + DEPTH) % RING
            wait_gather(j, b)
            start_wb(j, b)
            wait_wb(j + DEPTH - RING, bn)
            start_gather(j + DEPTH, bn)
        return carry

    lax.fori_loop(1, N_GROUPS - 1, group, 0)

    for b in range(RING):
        j = (N_GROUPS - 1) * RING + b
        wait_gather(j, b)
        start_wb(j, b)
        jn = j + DEPTH
        if jn < ROWS_PER_W:
            bn = (b + DEPTH) % RING
            wait_wb(jn - RING, bn)
            start_gather(jn, bn)
    for b in range(RING):
        wait_wb((N_GROUPS - 1) * RING + b, b)


@jax.jit
def _embed(table, ids_t3):
    mesh = plsc.VectorSubcoreMesh(core_axis_name="c", subcore_axis_name="s")
    f = pl.kernel(
        _body,
        out_type=jax.ShapeDtypeStruct((N_TOKENS, HIDDEN), jnp.float32),
        name="sc_embedding_gather",
        mesh=mesh,
        scratch_types=[
            pltpu.VMEM((ROWS_PER_W, IDX_COLS), jnp.int32),
            pltpu.VMEM((RING, IDX_COLS, HIDDEN), jnp.float32),
            pltpu.SemaphoreType.DMA((RING,)),
            pltpu.SemaphoreType.DMA((RING,)),
        ],
    )
    out = f(table, ids_t3)
    return out.reshape(SEQ, BATCH, HIDDEN).transpose(1, 0, 2)


def kernel(input_ids, table):
    ids_t3 = input_ids.T.reshape(NW, ROWS_PER_W, IDX_COLS)
    return _embed(table, ids_t3)

# --- scband reference (transcript-rebuilt; emitter-appended) ---
"""Pipeline reference for scband-token-embedding-16801912062839 (READ-ONLY COPY).

The authoritative reference and input builder live on the scoring server;
editing this copy changes nothing except your own understanding.
"""

import jax, jax.numpy as jnp
import numpy as np

VOCAB = 100000
HIDDEN = 128
PAD_ID = 0
INIT_RANGE = 0.02


def setup_inputs(seed: int = 0) -> dict:
    key = jax.random.key(seed)
    k_idx, k_tab = jax.random.split(key)
    input_ids = jax.random.randint(k_idx, (4096, 50), 0, VOCAB, dtype=jnp.int64 if jax.config.jax_enable_x64 else jnp.int32).astype(jnp.int32)
    table = jax.random.normal(k_tab, (VOCAB, HIDDEN), dtype=jnp.float32) * INIT_RANGE
    # padding_idx row is zeroed in nn.Embedding with padding_idx set
    table = table.at[PAD_ID].set(0.0)
    return {"input_ids": input_ids, "table": table}


def reference(input_ids, table):
    # nn.Embedding forward: gather rows of the table
    return jnp.take(table, input_ids, axis=0)

if __name__ == "__main__":
    import jax
    _d = setup_inputs()
    print(jax.jit(kernel)(*tuple(_d.values())))

</pallas_src>

<mosaic_0001>
#map = affine_map<(d0, d1) -> (0, 0)>
#map1 = affine_map<(d0, d1) -> (0, 0, 0)>
module attributes {stable_mosaic.version = 14 : i64} {
  func.func @sc_embedding_gather(%arg0: i32, %arg1: i32, %arg2: memref<100000x128xf32, #tpu.memory_space<hbm>>, %arg3: memref<32x50x128xi32, #tpu.memory_space<hbm>>, %arg4: memref<204800x128xf32, #tpu.memory_space<hbm>>, %arg5: memref<50x128xi32, #tpu.memory_space<vmem>>, %arg6: memref<5x128x128xf32, #tpu.memory_space<vmem>>, %arg7: memref<5x!tpu.dma_semaphore, #tpu.memory_space<semaphore_mem>>, %arg8: memref<5x!tpu.dma_semaphore, #tpu.memory_space<semaphore_mem>>) attributes {dimension_semantics = [#tpu.dimension_semantics<core_parallel>, #tpu.dimension_semantics<subcore_parallel>], iteration_bounds = array<i64: 2, 16>, scalar_prefetch = 0 : i64, scratch_operands = 4 : i64, tpu.core_type = #tpu.core_type<sc_vector_subcore>, window_params = [{transform_indices = #map}, {transform_indices = #map1}, {transform_indices = #map}]} {
    %mul3A = arith.constant 2 : i32
    %mul3A_0 = arith.muli %arg1, %mul3A : i32
    %add3A = arith.addi %mul3A_0, %arg0 : i32
    %mul3A_1 = arith.constant 50 : i32
    %mul3A_2 = arith.muli %add3A, %mul3A_1 : i32
    "tpu.region"() ({
      %run_scoped3A = tpu.sem_alloc : memref<!tpu.dma_semaphore, #tpu.memory_space<semaphore_mem>>
      %dma_start3A_706 = arith.constant 0 : i32
      %dma_start3A_707 = arith.constant 0 : i32
      %dma_start3A_708 = tpu.memref_slice %arg3[%add3A, %dma_start3A_706, %dma_start3A_707] : memref<32x50x128xi32, #tpu.memory_space<hbm>> -> memref<1x50x128xi32, #tpu.memory_space<hbm>>
      %dma_start3A_709 = tpu.memref_squeeze %dma_start3A_708 : memref<1x50x128xi32, #tpu.memory_space<hbm>> -> memref<50x128xi32, #tpu.memory_space<hbm>>
      %dma_start3A_710 = arith.constant 0 : i32
      %dma_start3A_711 = arith.constant 0 : i32
      %dma_start3A_712 = tpu.memref_slice %arg3[%add3A, %dma_start3A_710, %dma_start3A_711] : memref<32x50x128xi32, #tpu.memory_space<hbm>> -> memref<1x50x128xi32, #tpu.memory_space<hbm>>
      %dma_start3A_713 = tpu.memref_squeeze %dma_start3A_712 : memref<1x50x128xi32, #tpu.memory_space<hbm>> -> memref<50x128xi32, #tpu.memory_space<hbm>>
      tpu.enqueue_dma source(%dma_start3A_713 : memref<50x128xi32, #tpu.memory_space<hbm>>) target(%arg5 : memref<50x128xi32, #tpu.memory_space<vmem>>) target_semaphore(%run_scoped3A : memref<!tpu.dma_semaphore, #tpu.memory_space<semaphore_mem>>)
      %dma_wait3A_714 = arith.constant 0 : i32
      %dma_wait3A_715 = arith.constant 0 : i32
      %dma_wait3A_716 = tpu.memref_slice %arg3[%add3A, %dma_wait3A_714, %dma_wait3A_715] : memref<32x50x128xi32, #tpu.memory_space<hbm>> -> memref<1x50x128xi32, #tpu.memory_space<hbm>>
      %dma_wait3A_717 = tpu.memref_squeeze %dma_wait3A_716 : memref<1x50x128xi32, #tpu.memory_space<hbm>> -> memref<50x128xi32, #tpu.memory_space<hbm>>
      %dma_wait3A_718 = arith.constant 0 : i32
      %dma_wait3A_719 = arith.constant 0 : i32
      %dma_wait3A_720 = tpu.memref_slice %arg3[%add3A, %dma_wait3A_718, %dma_wait3A_719] : memref<32x50x128xi32, #tpu.memory_space<hbm>> -> memref<1x50x128xi32, #tpu.memory_space<hbm>>
      %dma_wait3A_721 = tpu.memref_squeeze %dma_wait3A_720 : memref<1x50x128xi32, #tpu.memory_space<hbm>> -> memref<50x128xi32, #tpu.memory_space<hbm>>
      tpu.wait_dma2 semaphore(%run_scoped3A : memref<!tpu.dma_semaphore, #tpu.memory_space<semaphore_mem>>) src(%dma_wait3A_721 : memref<50x128xi32, #tpu.memory_space<hbm>>) dst(%arg5 : memref<50x128xi32, #tpu.memory_space<vmem>>)
      tpu.yield
    }) : () -> ()
    %dma_start3A = arith.constant 0 : i32
    %dma_start3A_3 = arith.constant 0 : i32
    %dma_start3A_4 = arith.constant 0 : i32
    %dma_start3A_5 = arith.constant 0 : i32
    %dma_start3A_6 = arith.constant 0 : i32
    %dma_start3A_7 = tpu.memref_slice %arg6[%dma_start3A_3, %dma_start3A_5, %dma_start3A_6] : memref<5x128x128xf32, #tpu.memory_space<vmem>> -> memref<1x128x128xf32, #tpu.memory_space<vmem>>
    %dma_start3A_8 = tpu.memref_squeeze %dma_start3A_7 : memref<1x128x128xf32, #tpu.memory_space<vmem>> -> memref<128x128xf32, #tpu.memory_space<vmem>>
    %dma_start3A_9 = arith.constant 0 : i32
    %dma_start3A_10 = tpu.memref_slice %arg5[%dma_start3A, %dma_start3A_9] : memref<50x128xi32, #tpu.memory_space<vmem>> -> memref<1x128xi32, #tpu.memory_space<vmem>>
    %dma_start3A_11 = tpu.memref_squeeze %dma_start3A_10 : memref<1x128xi32, #tpu.memory_space<vmem>> -> memref<128xi32, #tpu.memory_space<vmem>>
    %dma_start3A_12 = arith.constant 0 : i32
    %dma_start3A_13 = arith.constant 0 : i32
    %dma_start3A_14 = tpu.memref_slice %arg2[%dma_start3A_12, %dma_start3A_13] : memref<100000x128xf32, #tpu.memory_space<hbm>> -> memref<100000x128xf32, #tpu.memory_space<hbm>>
    %dma_start3A_15 = tpu.memref_slice %arg7[%dma_start3A_4] : memref<5x!tpu.dma_semaphore, #tpu.memory_space<semaphore_mem>> -> memref<1x!tpu.dma_semaphore, #tpu.memory_space<semaphore_mem>>
    %dma_start3A_16 = tpu.memref_squeeze %dma_start3A_15 : memref<1x!tpu.dma_semaphore, #tpu.memory_space<semaphore_mem>> -> memref<!tpu.dma_semaphore, #tpu.memory_space<semaphore_mem>>
    tpu.enqueue_indirect_dma source(%dma_start3A_14 : memref<100000x128xf32, #tpu.memory_space<hbm>>) target(%dma_start3A_8 : memref<128x128xf32, #tpu.memory_space<vmem>>) offsets(%dma_start3A_11 : memref<128xi32, #tpu.memory_space<vmem>>) semaphore(%dma_start3A_16 : memref<!tpu.dma_semaphore, #tpu.memory_space<semaphore_mem>>)
    %dma_start3A_17 = arith.constant 1 : i32
    %dma_start3A_18 = arith.constant 1 : i32
    %dma_start3A_19 = arith.constant 1 : i32
    %dma_start3A_20 = arith.constant 0 : i32
    %dma_start3A_21 = arith.constant 0 : i32
    %dma_start3A_22 = tpu.memref_slice %arg6[%dma_start3A_18, %dma_start3A_20, %dma_start3A_21] : memref<5x128x128xf32, #tpu.memory_space<vmem>> -> memref<1x128x128xf32, #tpu.memory_space<vmem>>
    %dma_start3A_23 = tpu.memref_squeeze %dma_start3A_22 : memref<1x128x128xf32, #tpu.memory_space<vmem>> -> memref<128x128xf32, #tpu.memory_space<vmem>>
    %dma_start3A_24 = arith.constant 0 : i32
    %dma_start3A_25 = tpu.memref_slice %arg5[%dma_start3A_17, %dma_start3A_24] : memref<50x128xi32, #tpu.memory_space<vmem>> -> memref<1x128xi32, #tpu.memory_space<vmem>>
    %dma_start3A_26 = tpu.memref_squeeze %dma_start3A_25 : memref<1x128xi32, #tpu.memory_space<vmem>> -> memref<128xi32, #tpu.memory_space<vmem>>
    %dma_start3A_27 = arith.constant 0 : i32
    %dma_start3A_28 = arith.constant 0 : i32
    %dma_start3A_29 = tpu.memref_slice %arg2[%dma_start3A_27, %dma_start3A_28] : memref<100000x128xf32, #tpu.memory_space<hbm>> -> memref<100000x128xf32, #tpu.memory_space<hbm>>
    %dma_start3A_30 = tpu.memref_slice %arg7[%dma_start3A_19] : memref<5x!tpu.dma_semaphore, #tpu.memory_space<semaphore_mem>> -> memref<1x!tpu.dma_semaphore, #tpu.memory_space<semaphore_mem>>
    %dma_start3A_31 = tpu.memref_squeeze %dma_start3A_30 : memref<1x!tpu.dma_semaphore, #tpu.memory_space<semaphore_mem>> -> memref<!tpu.dma_semaphore, #tpu.memory_space<semaphore_mem>>
    tpu.enqueue_indirect_dma source(%dma_start3A_29 : memref<100000x128xf32, #tpu.memory_space<hbm>>) target(%dma_start3A_23 : memref<128x128xf32, #tpu.memory_space<vmem>>) offsets(%dma_start3A_26 : memref<128xi32, #tpu.memory_space<vmem>>) semaphore(%dma_start3A_31 : memref<!tpu.dma_semaphore, #tpu.memory_space<semaphore_mem>>)
    %dma_wait3A = arith.constant 0 : i32
    %dma_wait3A_32 = arith.constant 0 : i32
    %dma_wait3A_33 = arith.constant 0 : i32
    %dma_wait3A_34 = arith.constant 0 : i32
    %dma_wait3A_35 = arith.constant 0 : i32
    %dma_wait3A_36 = tpu.memref_slice %arg6[%dma_wait3A_32, %dma_wait3A_34, %dma_wait3A_35] : memref<5x128x128xf32, #tpu.memory_space<vmem>> -> memref<1x128x128xf32, #tpu.memory_space<vmem>>
    %dma_wait3A_37 = tpu.memref_squeeze %dma_wait3A_36 : memref<1x128x128xf32, #tpu.memory_space<vmem>> -> memref<128x128xf32, #tpu.memory_space<vmem>>
    %dma_wait3A_38 = arith.constant 0 : i32
    %dma_wait3A_39 = tpu.memref_slice %arg5[%dma_wait3A, %dma_wait3A_38] : memref<50x128xi32, #tpu.memory_space<vmem>> -> memref<1x128xi32, #tpu.memory_space<vmem>>
    %dma_wait3A_40 = tpu.memref_squeeze %dma_wait3A_39 : memref<1x128xi32, #tpu.memory_space<vmem>> -> memref<128xi32, #tpu.memory_space<vmem>>
    %dma_wait3A_41 = arith.constant 0 : i32
    %dma_wait3A_42 = arith.constant 0 : i32
    %dma_wait3A_43 = tpu.memref_slice %arg2[%dma_wait3A_41, %dma_wait3A_42] : memref<100000x128xf32, #tpu.memory_space<hbm>> -> memref<100000x128xf32, #tpu.memory_space<hbm>>
    %dma_wait3A_44 = tpu.memref_slice %arg7[%dma_wait3A_33] : memref<5x!tpu.dma_semaphore, #tpu.memory_space<semaphore_mem>> -> memref<1x!tpu.dma_semaphore, #tpu.memory_space<semaphore_mem>>
    %dma_wait3A_45 = tpu.memref_squeeze %dma_wait3A_44 : memref<1x!tpu.dma_semaphore, #tpu.memory_space<semaphore_mem>> -> memref<!tpu.dma_semaphore, #tpu.memory_space<semaphore_mem>>
    tpu.wait_indirect_dma semaphore(%dma_wait3A_45 : memref<!tpu.dma_semaphore, #tpu.memory_space<semaphore_mem>>) src(%dma_wait3A_43 : memref<100000x128xf32, #tpu.memory_space<hbm>>) dst(%dma_wait3A_37 : memref<128x128xf32, #tpu.memory_space<vmem>>)
    %add3A_46 = arith.constant 0 : i32
    %add3A_47 = arith.addi %mul3A_2, %add3A_46 : i32
    %mul3A_48 = arith.constant 128 : i32
    %mul3A_49 = arith.muli %add3A_47, %mul3A_48 : i32
    %dma_start3A_50 = arith.constant 0 : i32
    %dma_start3A_51 = arith.constant 0 : i32
    %dma_start3A_52 = arith.constant 0 : i32
    %dma_start3A_53 = arith.constant 0 : i32
    %dma_start3A_54 = tpu.memref_slice %arg6[%dma_start3A_50, %dma_start3A_52, %dma_start3A_53] : memref<5x128x128xf32, #tpu.memory_space<vmem>> -> memref<1x128x128xf32, #tpu.memory_space<vmem>>
    %dma_start3A_55 = tpu.memref_squeeze %dma_start3A_54 : memref<1x128x128xf32, #tpu.memory_space<vmem>> -> memref<128x128xf32, #tpu.memory_space<vmem>>
    %dma_start3A_56 = arith.constant 0 : i32
    %dma_start3A_57 = tpu.memref_slice %arg4[%mul3A_49, %dma_start3A_56] : memref<204800x128xf32, #tpu.memory_space<hbm>> -> memref<128x128xf32, #tpu.memory_space<hbm>>
    %dma_start3A_58 = tpu.memref_slice %arg8[%dma_start3A_51] : memref<5x!tpu.dma_semaphore, #tpu.memory_space<semaphore_mem>> -> memref<1x!tpu.dma_semaphore, #tpu.memory_space<semaphore_mem>>
    %dma_start3A_59 = tpu.memref_squeeze %dma_start3A_58 : memref<1x!tpu.dma_semaphore, #tpu.memory_space<semaphore_mem>> -> memref<!tpu.dma_semaphore, #tpu.memory_space<semaphore_mem>>
    %dma_start3A_60 = arith.constant 0 : i32
    %dma_start3A_61 = tpu.memref_slice %arg4[%mul3A_49, %dma_start3A_60] : memref<204800x128xf32, #tpu.memory_space<hbm>> -> memref<128x128xf32, #tpu.memory_space<hbm>>
    %dma_start3A_62 = arith.constant 0 : i32
    %dma_start3A_63 = arith.constant 0 : i32
    %dma_start3A_64 = tpu.memref_slice %arg6[%dma_start3A_50, %dma_start3A_62, %dma_start3A_63] : memref<5x128x128xf32, #tpu.memory_space<vmem>> -> memref<1x128x128xf32, #tpu.memory_space<vmem>>
    %dma_start3A_65 = tpu.memref_squeeze %dma_start3A_64 : memref<1x128x128xf32, #tpu.memory_space<vmem>> -> memref<128x128xf32, #tpu.memory_space<vmem>>
    tpu.enqueue_dma source(%dma_start3A_65 : memref<128x128xf32, #tpu.memory_space<vmem>>) target(%dma_start3A_61 : memref<128x128xf32, #tpu.memory_space<hbm>>) target_semaphore(%dma_start3A_59 : memref<!tpu.dma_semaphore, #tpu.memory_space<semaphore_mem>>)
    %dma_start3A_66 = arith.constant 2 : i32
    %dma_start3A_67 = arith.constant 2 : i32
    %dma_start3A_68 = arith.constant 2 : i32
    %dma_start3A_69 = arith.constant 0 : i32
    %dma_start3A_70 = arith.constant 0 : i32
    %dma_start3A_71 = tpu.memref_slice %arg6[%dma_start3A_67, %dma_start3A_69, %dma_start3A_70] : memref<5x128x128xf32, #tpu.memory_space<vmem>> -> memref<1x128x128xf32, #tpu.memory_space<vmem>>
    %dma_start3A_72 = tpu.memref_squeeze %dma_start3A_71 : memref<1x128x128xf32, #tpu.memory_space<vmem>> -> memref<128x128xf32, #tpu.memory_space<vmem>>
    %dma_start3A_73 = arith.constant 0 : i32
    %dma_start3A_74 = tpu.memref_slice %arg5[%dma_start3A_66, %dma_start3A_73] : memref<50x128xi32, #tpu.memory_space<vmem>> -> memref<1x128xi32, #tpu.memory_space<vmem>>
    %dma_start3A_75 = tpu.memref_squeeze %dma_start3A_74 : memref<1x128xi32, #tpu.memory_space<vmem>> -> memref<128xi32, #tpu.memory_space<vmem>>
    %dma_start3A_76 = arith.constant 0 : i32
    %dma_start3A_77 = arith.constant 0 : i32
    %dma_start3A_78 = tpu.memref_slice %arg2[%dma_start3A_76, %dma_start3A_77] : memref<100000x128xf32, #tpu.memory_space<hbm>> -> memref<100000x128xf32, #tpu.memory_space<hbm>>
    %dma_start3A_79 = tpu.memref_slice %arg7[%dma_start3A_68] : memref<5x!tpu.dma_semaphore, #tpu.memory_space<semaphore_mem>> -> memref<1x!tpu.dma_semaphore, #tpu.memory_space<semaphore_mem>>
    %dma_start3A_80 = tpu.memref_squeeze %dma_start3A_79 : memref<1x!tpu.dma_semaphore, #tpu.memory_space<semaphore_mem>> -> memref<!tpu.dma_semaphore, #tpu.memory_space<semaphore_mem>>
    tpu.enqueue_indirect_dma source(%dma_start3A_78 : memref<100000x128xf32, #tpu.memory_space<hbm>>) target(%dma_start3A_72 : memref<128x128xf32, #tpu.memory_space<vmem>>) offsets(%dma_start3A_75 : memref<128xi32, #tpu.memory_space<vmem>>) semaphore(%dma_start3A_80 : memref<!tpu.dma_semaphore, #tpu.memory_space<semaphore_mem>>)
    %dma_wait3A_81 = arith.constant 1 : i32
    %dma_wait3A_82 = arith.constant 1 : i32
    %dma_wait3A_83 = arith.constant 1 : i32
    %dma_wait3A_84 = arith.constant 0 : i32
    %dma_wait3A_85 = arith.constant 0 : i32
    %dma_wait3A_86 = tpu.memref_slice %arg6[%dma_wait3A_82, %dma_wait3A_84, %dma_wait3A_85] : memref<5x128x128xf32, #tpu.memory_space<vmem>> -> memref<1x128x128xf32, #tpu.memory_space<vmem>>
    %dma_wait3A_87 = tpu.memref_squeeze %dma_wait3A_86 : memref<1x128x128xf32, #tpu.memory_space<vmem>> -> memref<128x128xf32, #tpu.memory_space<vmem>>
    %dma_wait3A_88 = arith.constant 0 : i32
    %dma_wait3A_89 = tpu.memref_slice %arg5[%dma_wait3A_81, %dma_wait3A_88] : memref<50x128xi32, #tpu.memory_space<vmem>> -> memref<1x128xi32, #tpu.memory_space<vmem>>
    %dma_wait3A_90 = tpu.memref_squeeze %dma_wait3A_89 : memref<1x128xi32, #tpu.memory_space<vmem>> -> memref<128xi32, #tpu.memory_space<vmem>>
    %dma_wait3A_91 = arith.constant 0 : i32
    %dma_wait3A_92 = arith.constant 0 : i32
    %dma_wait3A_93 = tpu.memref_slice %arg2[%dma_wait3A_91, %dma_wait3A_92] : memref<100000x128xf32, #tpu.memory_space<hbm>> -> memref<100000x128xf32, #tpu.memory_space<hbm>>
    %dma_wait3A_94 = tpu.memref_slice %arg7[%dma_wait3A_83] : memref<5x!tpu.dma_semaphore, #tpu.memory_space<semaphore_mem>> -> memref<1x!tpu.dma_semaphore, #tpu.memory_space<semaphore_mem>>
    %dma_wait3A_95 = tpu.memref_squeeze %dma_wait3A_94 : memref<1x!tpu.dma_semaphore, #tpu.memory_space<semaphore_mem>> -> memref<!tpu.dma_semaphore, #tpu.memory_space<semaphore_mem>>
    tpu.wait_indirect_dma semaphore(%dma_wait3A_95 : memref<!tpu.dma_semaphore, #tpu.memory_space<semaphore_mem>>) src(%dma_wait3A_93 : memref<100000x128xf32, #tpu.memory_space<hbm>>) dst(%dma_wait3A_87 : memref<128x128xf32, #tpu.memory_space<vmem>>)
    %add3A_96 = arith.constant 1 : i32
    %add3A_97 = arith.addi %mul3A_2, %add3A_96 : i32
    %mul3A_98 = arith.constant 128 : i32
    %mul3A_99 = arith.muli %add3A_97, %mul3A_98 : i32
    %dma_start3A_100 = arith.constant 1 : i32
    %dma_start3A_101 = arith.constant 1 : i32
    %dma_start3A_102 = arith.constant 0 : i32
    %dma_start3A_103 = arith.constant 0 : i32
    %dma_start3A_104 = tpu.memref_slice %arg6[%dma_start3A_100, %dma_start3A_102, %dma_start3A_103] : memref<5x128x128xf32, #tpu.memory_space<vmem>> -> memref<1x128x128xf32, #tpu.memory_space<vmem>>
    %dma_start3A_105 = tpu.memref_squeeze %dma_start3A_104 : memref<1x128x128xf32, #tpu.memory_space<vmem>> -> memref<128x128xf32, #tpu.memory_space<vmem>>
    %dma_start3A_106 = arith.constant 0 : i32
    %dma_start3A_107 = tpu.memref_slice %arg4[%mul3A_99, %dma_start3A_106] : memref<204800x128xf32, #tpu.memory_space<hbm>> -> memref<128x128xf32, #tpu.memory_space<hbm>>
    %dma_start3A_108 = tpu.memref_slice %arg8[%dma_start3A_101] : memref<5x!tpu.dma_semaphore, #tpu.memory_space<semaphore_mem>> -> memref<1x!tpu.dma_semaphore, #tpu.memory_space<semaphore_mem>>
    %dma_start3A_109 = tpu.memref_squeeze %dma_start3A_108 : memref<1x!tpu.dma_semaphore, #tpu.memory_space<semaphore_mem>> -> memref<!tpu.dma_semaphore, #tpu.memory_space<semaphore_mem>>
    %dma_start3A_110 = arith.constant 0 : i32
    %dma_start3A_111 = tpu.memref_slice %arg4[%mul3A_99, %dma_start3A_110] : memref<204800x128xf32, #tpu.memory_space<hbm>> -> memref<128x128xf32, #tpu.memory_space<hbm>>
    %dma_start3A_112 = arith.constant 0 : i32
    %dma_start3A_113 = arith.constant 0 : i32
    %dma_start3A_114 = tpu.memref_slice %arg6[%dma_start3A_100, %dma_start3A_112, %dma_start3A_113] : memref<5x128x128xf32, #tpu.memory_space<vmem>> -> memref<1x128x128xf32, #tpu.memory_space<vmem>>
    %dma_start3A_115 = tpu.memref_squeeze %dma_start3A_114 : memref<1x128x128xf32, #tpu.memory_space<vmem>> -> memref<128x128xf32, #tpu.memory_space<vmem>>
    tpu.enqueue_dma source(%dma_start3A_115 : memref<128x128xf32, #tpu.memory_space<vmem>>) target(%dma_start3A_111 : memref<128x128xf32, #tpu.memory_space<hbm>>) target_semaphore(%dma_start3A_109 : memref<!tpu.dma_semaphore, #tpu.memory_space<semaphore_mem>>)
    %dma_start3A_116 = arith.constant 3 : i32
    %dma_start3A_117 = arith.constant 3 : i32
    %dma_start3A_118 = arith.constant 3 : i32
    %dma_start3A_119 = arith.constant 0 : i32
    %dma_start3A_120 = arith.constant 0 : i32
    %dma_start3A_121 = tpu.memref_slice %arg6[%dma_start3A_117, %dma_start3A_119, %dma_start3A_120] : memref<5x128x128xf32, #tpu.memory_space<vmem>> -> memref<1x128x128xf32, #tpu.memory_space<vmem>>
    %dma_start3A_122 = tpu.memref_squeeze %dma_start3A_121 : memref<1x128x128xf32, #tpu.memory_space<vmem>> -> memref<128x128xf32, #tpu.memory_space<vmem>>
    %dma_start3A_123 = arith.constant 0 : i32
    %dma_start3A_124 = tpu.memref_slice %arg5[%dma_start3A_116, %dma_start3A_123] : memref<50x128xi32, #tpu.memory_space<vmem>> -> memref<1x128xi32, #tpu.memory_space<vmem>>
    %dma_start3A_125 = tpu.memref_squeeze %dma_start3A_124 : memref<1x128xi32, #tpu.memory_space<vmem>> -> memref<128xi32, #tpu.memory_space<vmem>>
    %dma_start3A_126 = arith.constant 0 : i32
    %dma_start3A_127 = arith.constant 0 : i32
    %dma_start3A_128 = tpu.memref_slice %arg2[%dma_start3A_126, %dma_start3A_127] : memref<100000x128xf32, #tpu.memory_space<hbm>> -> memref<100000x128xf32, #tpu.memory_space<hbm>>
    %dma_start3A_129 = tpu.memref_slice %arg7[%dma_start3A_118] : memref<5x!tpu.dma_semaphore, #tpu.memory_space<semaphore_mem>> -> memref<1x!tpu.dma_semaphore, #tpu.memory_space<semaphore_mem>>
    %dma_start3A_130 = tpu.memref_squeeze %dma_start3A_129 : memref<1x!tpu.dma_semaphore, #tpu.memory_space<semaphore_mem>> -> memref<!tpu.dma_semaphore, #tpu.memory_space<semaphore_mem>>
    tpu.enqueue_indirect_dma source(%dma_start3A_128 : memref<100000x128xf32, #tpu.memory_space<hbm>>) target(%dma_start3A_122 : memref<128x128xf32, #tpu.memory_space<vmem>>) offsets(%dma_start3A_125 : memref<128xi32, #tpu.memory_space<vmem>>) semaphore(%dma_start3A_130 : memref<!tpu.dma_semaphore, #tpu.memory_space<semaphore_mem>>)
    %dma_wait3A_131 = arith.constant 2 : i32
    %dma_wait3A_132 = arith.constant 2 : i32
    %dma_wait3A_133 = arith.constant 2 : i32
    %dma_wait3A_134 = arith.constant 0 : i32
    %dma_wait3A_135 = arith.constant 0 : i32
    %dma_wait3A_136 = tpu.memref_slice %arg6[%dma_wait3A_132, %dma_wait3A_134, %dma_wait3A_135] : memref<5x128x128xf32, #tpu.memory_space<vmem>> -> memref<1x128x128xf32, #tpu.memory_space<vmem>>
    %dma_wait3A_137 = tpu.memref_squeeze %dma_wait3A_136 : memref<1x128x128xf32, #tpu.memory_space<vmem>> -> memref<128x128xf32, #tpu.memory_space<vmem>>
    %dma_wait3A_138 = arith.constant 0 : i32
    %dma_wait3A_139 = tpu.memref_slice %arg5[%dma_wait3A_131, %dma_wait3A_138] : memref<50x128xi32, #tpu.memory_space<vmem>> -> memref<1x128xi32, #tpu.memory_space<vmem>>
    %dma_wait3A_140 = tpu.memref_squeeze %dma_wait3A_139 : memref<1x128xi32, #tpu.memory_space<vmem>> -> memref<128xi32, #tpu.memory_space<vmem>>
    %dma_wait3A_141 = arith.constant 0 : i32
    %dma_wait3A_142 = arith.constant 0 : i32
    %dma_wait3A_143 = tpu.memref_slice %arg2[%dma_wait3A_141, %dma_wait3A_142] : memref<100000x128xf32, #tpu.memory_space<hbm>> -> memref<100000x128xf32, #tpu.memory_space<hbm>>
    %dma_wait3A_144 = tpu.memref_slice %arg7[%dma_wait3A_133] : memref<5x!tpu.dma_semaphore, #tpu.memory_space<semaphore_mem>> -> memref<1x!tpu.dma_semaphore, #tpu.memory_space<semaphore_mem>>
    %dma_wait3A_145 = tpu.memref_squeeze %dma_wait3A_144 : memref<1x!tpu.dma_semaphore, #tpu.memory_space<semaphore_mem>> -> memref<!tpu.dma_semaphore, #tpu.memory_space<semaphore_mem>>
    tpu.wait_indirect_dma semaphore(%dma_wait3A_145 : memref<!tpu.dma_semaphore, #tpu.memory_space<semaphore_mem>>) src(%dma_wait3A_143 : memref<100000x128xf32, #tpu.memory_space<hbm>>) dst(%dma_wait3A_137 : memref<128x128xf32, #tpu.memory_space<vmem>>)
    %add3A_146 = arith.constant 2 : i32
    %add3A_147 = arith.addi %mul3A_2, %add3A_146 : i32
    %mul3A_148 = arith.constant 128 : i32
    %mul3A_149 = arith.muli %add3A_147, %mul3A_148 : i32
    %dma_start3A_150 = arith.constant 2 : i32
    %dma_start3A_151 = arith.constant 2 : i32
    %dma_start3A_152 = arith.constant 0 : i32
    %dma_start3A_153 = arith.constant 0 : i32
    %dma_start3A_154 = tpu.memref_slice %arg6[%dma_start3A_150, %dma_start3A_152, %dma_start3A_153] : memref<5x128x128xf32, #tpu.memory_space<vmem>> -> memref<1x128x128xf32, #tpu.memory_space<vmem>>
    %dma_start3A_155 = tpu.memref_squeeze %dma_start3A_154 : memref<1x128x128xf32, #tpu.memory_space<vmem>> -> memref<128x128xf32, #tpu.memory_space<vmem>>
    %dma_start3A_156 = arith.constant 0 : i32
    %dma_start3A_157 = tpu.memref_slice %arg4[%mul3A_149, %dma_start3A_156] : memref<204800x128xf32, #tpu.memory_space<hbm>> -> memref<128x128xf32, #tpu.memory_space<hbm>>
    %dma_start3A_158 = tpu.memref_slice %arg8[%dma_start3A_151] : memref<5x!tpu.dma_semaphore, #tpu.memory_space<semaphore_mem>> -> memref<1x!tpu.dma_semaphore, #tpu.memory_space<semaphore_mem>>
    %dma_start3A_159 = tpu.memref_squeeze %dma_start3A_158 : memref<1x!tpu.dma_semaphore, #tpu.memory_space<semaphore_mem>> -> memref<!tpu.dma_semaphore, #tpu.memory_space<semaphore_mem>>
    %dma_start3A_160 = arith.constant 0 : i32
    %dma_start3A_161 = tpu.memref_slice %arg4[%mul3A_149, %dma_start3A_160] : memref<204800x128xf32, #tpu.memory_space<hbm>> -> memref<128x128xf32, #tpu.memory_space<hbm>>
    %dma_start3A_162 = arith.constant 0 : i32
    %dma_start3A_163 = arith.constant 0 : i32
    %dma_start3A_164 = tpu.memref_slice %arg6[%dma_start3A_150, %dma_start3A_162, %dma_start3A_163] : memref<5x128x128xf32, #tpu.memory_space<vmem>> -> memref<1x128x128xf32, #tpu.memory_space<vmem>>
    %dma_start3A_165 = tpu.memref_squeeze %dma_start3A_164 : memref<1x128x128xf32, #tpu.memory_space<vmem>> -> memref<128x128xf32, #tpu.memory_space<vmem>>
    tpu.enqueue_dma source(%dma_start3A_165 : memref<128x128xf32, #tpu.memory_space<vmem>>) target(%dma_start3A_161 : memref<128x128xf32, #tpu.memory_space<hbm>>) target_semaphore(%dma_start3A_159 : memref<!tpu.dma_semaphore, #tpu.memory_space<semaphore_mem>>)
    %dma_start3A_166 = arith.constant 4 : i32
    %dma_start3A_167 = arith.constant 4 : i32
    %dma_start3A_168 = arith.constant 4 : i32
    %dma_start3A_169 = arith.constant 0 : i32
    %dma_start3A_170 = arith.constant 0 : i32
    %dma_start3A_171 = tpu.memref_slice %arg6[%dma_start3A_167, %dma_start3A_169, %dma_start3A_170] : memref<5x128x128xf32, #tpu.memory_space<vmem>> -> memref<1x128x128xf32, #tpu.memory_space<vmem>>
    %dma_start3A_172 = tpu.memref_squeeze %dma_start3A_171 : memref<1x128x128xf32, #tpu.memory_space<vmem>> -> memref<128x128xf32, #tpu.memory_space<vmem>>
    %dma_start3A_173 = arith.constant 0 : i32
    %dma_start3A_174 = tpu.memref_slice %arg5[%dma_start3A_166, %dma_start3A_173] : memref<50x128xi32, #tpu.memory_space<vmem>> -> memref<1x128xi32, #tpu.memory_space<vmem>>
    %dma_start3A_175 = tpu.memref_squeeze %dma_start3A_174 : memref<1x128xi32, #tpu.memory_space<vmem>> -> memref<128xi32, #tpu.memory_space<vmem>>
    %dma_start3A_176 = arith.constant 0 : i32
    %dma_start3A_177 = arith.constant 0 : i32
    %dma_start3A_178 = tpu.memref_slice %arg2[%dma_start3A_176, %dma_start3A_177] : memref<100000x128xf32, #tpu.memory_space<hbm>> -> memref<100000x128xf32, #tpu.memory_space<hbm>>
    %dma_start3A_179 = tpu.memref_slice %arg7[%dma_start3A_168] : memref<5x!tpu.dma_semaphore, #tpu.memory_space<semaphore_mem>> -> memref<1x!tpu.dma_semaphore, #tpu.memory_space<semaphore_mem>>
    %dma_start3A_180 = tpu.memref_squeeze %dma_start3A_179 : memref<1x!tpu.dma_semaphore, #tpu.memory_space<semaphore_mem>> -> memref<!tpu.dma_semaphore, #tpu.memory_space<semaphore_mem>>
    tpu.enqueue_indirect_dma source(%dma_start3A_178 : memref<100000x128xf32, #tpu.memory_space<hbm>>) target(%dma_start3A_172 : memref<128x128xf32, #tpu.memory_space<vmem>>) offsets(%dma_start3A_175 : memref<128xi32, #tpu.memory_space<vmem>>) semaphore(%dma_start3A_180 : memref<!tpu.dma_semaphore, #tpu.memory_space<semaphore_mem>>)
    %dma_wait3A_181 = arith.constant 3 : i32
    %dma_wait3A_182 = arith.constant 3 : i32
    %dma_wait3A_183 = arith.constant 3 : i32
    %dma_wait3A_184 = arith.constant 0 : i32
    %dma_wait3A_185 = arith.constant 0 : i32
    %dma_wait3A_186 = tpu.memref_slice %arg6[%dma_wait3A_182, %dma_wait3A_184, %dma_wait3A_185] : memref<5x128x128xf32, #tpu.memory_space<vmem>> -> memref<1x128x128xf32, #tpu.memory_space<vmem>>
    %dma_wait3A_187 = tpu.memref_squeeze %dma_wait3A_186 : memref<1x128x128xf32, #tpu.memory_space<vmem>> -> memref<128x128xf32, #tpu.memory_space<vmem>>
    %dma_wait3A_188 = arith.constant 0 : i32
    %dma_wait3A_189 = tpu.memref_slice %arg5[%dma_wait3A_181, %dma_wait3A_188] : memref<50x128xi32, #tpu.memory_space<vmem>> -> memref<1x128xi32, #tpu.memory_space<vmem>>
    %dma_wait3A_190 = tpu.memref_squeeze %dma_wait3A_189 : memref<1x128xi32, #tpu.memory_space<vmem>> -> memref<128xi32, #tpu.memory_space<vmem>>
    %dma_wait3A_191 = arith.constant 0 : i32
    %dma_wait3A_192 = arith.constant 0 : i32
    %dma_wait3A_193 = tpu.memref_slice %arg2[%dma_wait3A_191, %dma_wait3A_192] : memref<100000x128xf32, #tpu.memory_space<hbm>> -> memref<100000x128xf32, #tpu.memory_space<hbm>>
    %dma_wait3A_194 = tpu.memref_slice %arg7[%dma_wait3A_183] : memref<5x!tpu.dma_semaphore, #tpu.memory_space<semaphore_mem>> -> memref<1x!tpu.dma_semaphore, #tpu.memory_space<semaphore_mem>>
    %dma_wait3A_195 = tpu.memref_squeeze %dma_wait3A_194 : memref<1x!tpu.dma_semaphore, #tpu.memory_space<semaphore_mem>> -> memref<!tpu.dma_semaphore, #tpu.memory_space<semaphore_mem>>
    tpu.wait_indirect_dma semaphore(%dma_wait3A_195 : memref<!tpu.dma_semaphore, #tpu.memory_space<semaphore_mem>>) src(%dma_wait3A_193 : memref<100000x128xf32, #tpu.memory_space<hbm>>) dst(%dma_wait3A_187 : memref<128x128xf32, #tpu.memory_space<vmem>>)
    %add3A_196 = arith.constant 3 : i32
    %add3A_197 = arith.addi %mul3A_2, %add3A_196 : i32
    %mul3A_198 = arith.constant 128 : i32
    %mul3A_199 = arith.muli %add3A_197, %mul3A_198 : i32
    %dma_start3A_200 = arith.constant 3 : i32
    %dma_start3A_201 = arith.constant 3 : i32
    %dma_start3A_202 = arith.constant 0 : i32
    %dma_start3A_203 = arith.constant 0 : i32
    %dma_start3A_204 = tpu.memref_slice %arg6[%dma_start3A_200, %dma_start3A_202, %dma_start3A_203] : memref<5x128x128xf32, #tpu.memory_space<vmem>> -> memref<1x128x128xf32, #tpu.memory_space<vmem>>
    %dma_start3A_205 = tpu.memref_squeeze %dma_start3A_204 : memref<1x128x128xf32, #tpu.memory_space<vmem>> -> memref<128x128xf32, #tpu.memory_space<vmem>>
    %dma_start3A_206 = arith.constant 0 : i32
    %dma_start3A_207 = tpu.memref_slice %arg4[%mul3A_199, %dma_start3A_206] : memref<204800x128xf32, #tpu.memory_space<hbm>> -> memref<128x128xf32, #tpu.memory_space<hbm>>
    %dma_start3A_208 = tpu.memref_slice %arg8[%dma_start3A_201] : memref<5x!tpu.dma_semaphore, #tpu.memory_space<semaphore_mem>> -> memref<1x!tpu.dma_semaphore, #tpu.memory_space<semaphore_mem>>
    %dma_start3A_209 = tpu.memref_squeeze %dma_start3A_208 : memref<1x!tpu.dma_semaphore, #tpu.memory_space<semaphore_mem>> -> memref<!tpu.dma_semaphore, #tpu.memory_space<semaphore_mem>>
    %dma_start3A_210 = arith.constant 0 : i32
    %dma_start3A_211 = tpu.memref_slice %arg4[%mul3A_199, %dma_start3A_210] : memref<204800x128xf32, #tpu.memory_space<hbm>> -> memref<128x128xf32, #tpu.memory_space<hbm>>
    %dma_start3A_212 = arith.constant 0 : i32
    %dma_start3A_213 = arith.constant 0 : i32
    %dma_start3A_214 = tpu.memref_slice %arg6[%dma_start3A_200, %dma_start3A_212, %dma_start3A_213] : memref<5x128x128xf32, #tpu.memory_space<vmem>> -> memref<1x128x128xf32, #tpu.memory_space<vmem>>
    %dma_start3A_215 = tpu.memref_squeeze %dma_start3A_214 : memref<1x128x128xf32, #tpu.memory_space<vmem>> -> memref<128x128xf32, #tpu.memory_space<vmem>>
    tpu.enqueue_dma source(%dma_start3A_215 : memref<128x128xf32, #tpu.memory_space<vmem>>) target(%dma_start3A_211 : memref<128x128xf32, #tpu.memory_space<hbm>>) target_semaphore(%dma_start3A_209 : memref<!tpu.dma_semaphore, #tpu.memory_space<semaphore_mem>>)
    %add3A_216 = arith.constant 0 : i32
    %add3A_217 = arith.addi %mul3A_2, %add3A_216 : i32
    %mul3A_218 = arith.constant 128 : i32
    %mul3A_219 = arith.muli %add3A_217, %mul3A_218 : i32
    %dma_wait3A_220 = arith.constant 0 : i32
    %dma_wait3A_221 = arith.constant 0 : i32
    %dma_wait3A_222 = arith.constant 0 : i32
    %dma_wait3A_223 = arith.constant 0 : i32
    %dma_wait3A_224 = tpu.memref_slice %arg6[%dma_wait3A_220, %dma_wait3A_222, %dma_wait3A_223] : memref<5x128x128xf32, #tpu.memory_space<vmem>> -> memref<1x128x128xf32, #tpu.memory_space<vmem>>
    %dma_wait3A_225 = tpu.memref_squeeze %dma_wait3A_224 : memref<1x128x128xf32, #tpu.memory_space<vmem>> -> memref<128x128xf32, #tpu.memory_space<vmem>>
    %dma_wait3A_226 = arith.constant 0 : i32
    %dma_wait3A_227 = tpu.memref_slice %arg4[%mul3A_219, %dma_wait3A_226] : memref<204800x128xf32, #tpu.memory_space<hbm>> -> memref<128x128xf32, #tpu.memory_space<hbm>>
    %dma_wait3A_228 = tpu.memref_slice %arg8[%dma_wait3A_221] : memref<5x!tpu.dma_semaphore, #tpu.memory_space<semaphore_mem>> -> memref<1x!tpu.dma_semaphore, #tpu.memory_space<semaphore_mem>>
    %dma_wait3A_229 = tpu.memref_squeeze %dma_wait3A_228 : memref<1x!tpu.dma_semaphore, #tpu.memory_space<semaphore_mem>> -> memref<!tpu.dma_semaphore, #tpu.memory_space<semaphore_mem>>
    %dma_wait3A_230 = arith.constant 0 : i32
    %dma_wait3A_231 = tpu.memref_slice %arg4[%mul3A_219, %dma_wait3A_230] : memref<204800x128xf32, #tpu.memory_space<hbm>> -> memref<128x128xf32, #tpu.memory_space<hbm>>
    %dma_wait3A_232 = arith.constant 0 : i32
    %dma_wait3A_233 = arith.constant 0 : i32
    %dma_wait3A_234 = tpu.memref_slice %arg6[%dma_wait3A_220, %dma_wait3A_232, %dma_wait3A_233] : memref<5x128x128xf32, #tpu.memory_space<vmem>> -> memref<1x128x128xf32, #tpu.memory_space<vmem>>
    %dma_wait3A_235 = tpu.memref_squeeze %dma_wait3A_234 : memref<1x128x128xf32, #tpu.memory_space<vmem>> -> memref<128x128xf32, #tpu.memory_space<vmem>>
    tpu.wait_dma2 semaphore(%dma_wait3A_229 : memref<!tpu.dma_semaphore, #tpu.memory_space<semaphore_mem>>) src(%dma_wait3A_235 : memref<128x128xf32, #tpu.memory_space<vmem>>) dst(%dma_wait3A_231 : memref<128x128xf32, #tpu.memory_space<hbm>>)
    %dma_start3A_236 = arith.constant 5 : i32
    %dma_start3A_237 = arith.constant 0 : i32
    %dma_start3A_238 = arith.constant 0 : i32
    %dma_start3A_239 = arith.constant 0 : i32
    %dma_start3A_240 = arith.constant 0 : i32
    %dma_start3A_241 = tpu.memref_slice %arg6[%dma_start3A_237, %dma_start3A_239, %dma_start3A_240] : memref<5x128x128xf32, #tpu.memory_space<vmem>> -> memref<1x128x128xf32, #tpu.memory_space<vmem>>
    %dma_start3A_242 = tpu.memref_squeeze %dma_start3A_241 : memref<1x128x128xf32, #tpu.memory_space<vmem>> -> memref<128x128xf32, #tpu.memory_space<vmem>>
    %dma_start3A_243 = arith.constant 0 : i32
    %dma_start3A_244 = tpu.memref_slice %arg5[%dma_start3A_236, %dma_start3A_243] : memref<50x128xi32, #tpu.memory_space<vmem>> -> memref<1x128xi32, #tpu.memory_space<vmem>>
    %dma_start3A_245 = tpu.memref_squeeze %dma_start3A_244 : memref<1x128xi32, #tpu.memory_space<vmem>> -> memref<128xi32, #tpu.memory_space<vmem>>
    %dma_start3A_246 = arith.constant 0 : i32
    %dma_start3A_247 = arith.constant 0 : i32
    %dma_start3A_248 = tpu.memref_slice %arg2[%dma_start3A_246, %dma_start3A_247] : memref<100000x128xf32, #tpu.memory_space<hbm>> -> memref<100000x128xf32, #tpu.memory_space<hbm>>
    %dma_start3A_249 = tpu.memref_slice %arg7[%dma_start3A_238] : memref<5x!tpu.dma_semaphore, #tpu.memory_space<semaphore_mem>> -> memref<1x!tpu.dma_semaphore, #tpu.memory_space<semaphore_mem>>
    %dma_start3A_250 = tpu.memref_squeeze %dma_start3A_249 : memref<1x!tpu.dma_semaphore, #tpu.memory_space<semaphore_mem>> -> memref<!tpu.dma_semaphore, #tpu.memory_space<semaphore_mem>>
    tpu.enqueue_indirect_dma source(%dma_start3A_248 : memref<100000x128xf32, #tpu.memory_space<hbm>>) target(%dma_start3A_242 : memref<128x128xf32, #tpu.memory_space<vmem>>) offsets(%dma_start3A_245 : memref<128xi32, #tpu.memory_space<vmem>>) semaphore(%dma_start3A_250 : memref<!tpu.dma_semaphore, #tpu.memory_space<semaphore_mem>>)
    %dma_wait3A_251 = arith.constant 4 : i32
    %dma_wait3A_252 = arith.constant 4 : i32
    %dma_wait3A_253 = arith.constant 4 : i32
    %dma_wait3A_254 = arith.constant 0 : i32
    %dma_wait3A_255 = arith.constant 0 : i32
    %dma_wait3A_256 = tpu.memref_slice %arg6[%dma_wait3A_252, %dma_wait3A_254, %dma_wait3A_255] : memref<5x128x128xf32, #tpu.memory_space<vmem>> -> memref<1x128x128xf32, #tpu.memory_space<vmem>>
    %dma_wait3A_257 = tpu.memref_squeeze %dma_wait3A_256 : memref<1x128x128xf32, #tpu.memory_space<vmem>> -> memref<128x128xf32, #tpu.memory_space<vmem>>
    %dma_wait3A_258 = arith.constant 0 : i32
    %dma_wait3A_259 = tpu.memref_slice %arg5[%dma_wait3A_251, %dma_wait3A_258] : memref<50x128xi32, #tpu.memory_space<vmem>> -> memref<1x128xi32, #tpu.memory_space<vmem>>
    %dma_wait3A_260 = tpu.memref_squeeze %dma_wait3A_259 : memref<1x128xi32, #tpu.memory_space<vmem>> -> memref<128xi32, #tpu.memory_space<vmem>>
    %dma_wait3A_261 = arith.constant 0 : i32
    %dma_wait3A_262 = arith.constant 0 : i32
    %dma_wait3A_263 = tpu.memref_slice %arg2[%dma_wait3A_261, %dma_wait3A_262] : memref<100000x128xf32, #tpu.memory_space<hbm>> -> memref<100000x128xf32, #tpu.memory_space<hbm>>
    %dma_wait3A_264 = tpu.memref_slice %arg7[%dma_wait3A_253] : memref<5x!tpu.dma_semaphore, #tpu.memory_space<semaphore_mem>> -> memref<1x!tpu.dma_semaphore, #tpu.memory_space<semaphore_mem>>
    %dma_wait3A_265 = tpu.memref_squeeze %dma_wait3A_264 : memref<1x!tpu.dma_semaphore, #tpu.memory_space<semaphore_mem>> -> memref<!tpu.dma_semaphore, #tpu.memory_space<semaphore_mem>>
    tpu.wait_indirect_dma semaphore(%dma_wait3A_265 : memref<!tpu.dma_semaphore, #tpu.memory_space<semaphore_mem>>) src(%dma_wait3A_263 : memref<100000x128xf32, #tpu.memory_space<hbm>>) dst(%dma_wait3A_257 : memref<128x128xf32, #tpu.memory_space<vmem>>)
    %add3A_266 = arith.constant 4 : i32
    %add3A_267 = arith.addi %mul3A_2, %add3A_266 : i32
    %mul3A_268 = arith.constant 128 : i32
    %mul3A_269 = arith.muli %add3A_267, %mul3A_268 : i32
    %dma_start3A_270 = arith.constant 4 : i32
    %dma_start3A_271 = arith.constant 4 : i32
    %dma_start3A_272 = arith.constant 0 : i32
    %dma_start3A_273 = arith.constant 0 : i32
    %dma_start3A_274 = tpu.memref_slice %arg6[%dma_start3A_270, %dma_start3A_272, %dma_start3A_273] : memref<5x128x128xf32, #tpu.memory_space<vmem>> -> memref<1x128x128xf32, #tpu.memory_space<vmem>>
    %dma_start3A_275 = tpu.memref_squeeze %dma_start3A_274 : memref<1x128x128xf32, #tpu.memory_space<vmem>> -> memref<128x128xf32, #tpu.memory_space<vmem>>
    %dma_start3A_276 = arith.constant 0 : i32
    %dma_start3A_277 = tpu.memref_slice %arg4[%mul3A_269, %dma_start3A_276] : memref<204800x128xf32, #tpu.memory_space<hbm>> -> memref<128x128xf32, #tpu.memory_space<hbm>>
    %dma_start3A_278 = tpu.memref_slice %arg8[%dma_start3A_271] : memref<5x!tpu.dma_semaphore, #tpu.memory_space<semaphore_mem>> -> memref<1x!tpu.dma_semaphore, #tpu.memory_space<semaphore_mem>>
    %dma_start3A_279 = tpu.memref_squeeze %dma_start3A_278 : memref<1x!tpu.dma_semaphore, #tpu.memory_space<semaphore_mem>> -> memref<!tpu.dma_semaphore, #tpu.memory_space<semaphore_mem>>
    %dma_start3A_280 = arith.constant 0 : i32
    %dma_start3A_281 = tpu.memref_slice %arg4[%mul3A_269, %dma_start3A_280] : memref<204800x128xf32, #tpu.memory_space<hbm>> -> memref<128x128xf32, #tpu.memory_space<hbm>>
    %dma_start3A_282 = arith.constant 0 : i32
    %dma_start3A_283 = arith.constant 0 : i32
    %dma_start3A_284 = tpu.memref_slice %arg6[%dma_start3A_270, %dma_start3A_282, %dma_start3A_283] : memref<5x128x128xf32, #tpu.memory_space<vmem>> -> memref<1x128x128xf32, #tpu.memory_space<vmem>>
    %dma_start3A_285 = tpu.memref_squeeze %dma_start3A_284 : memref<1x128x128xf32, #tpu.memory_space<vmem>> -> memref<128x128xf32, #tpu.memory_space<vmem>>
    tpu.enqueue_dma source(%dma_start3A_285 : memref<128x128xf32, #tpu.memory_space<vmem>>) target(%dma_start3A_281 : memref<128x128xf32, #tpu.memory_space<hbm>>) target_semaphore(%dma_start3A_279 : memref<!tpu.dma_semaphore, #tpu.memory_space<semaphore_mem>>)
    %add3A_286 = arith.constant 1 : i32
    %add3A_287 = arith.addi %mul3A_2, %add3A_286 : i32
    %mul3A_288 = arith.constant 128 : i32
    %mul3A_289 = arith.muli %add3A_287, %mul3A_288 : i32
    %dma_wait3A_290 = arith.constant 1 : i32
    %dma_wait3A_291 = arith.constant 1 : i32
    %dma_wait3A_292 = arith.constant 0 : i32
    %dma_wait3A_293 = arith.constant 0 : i32
    %dma_wait3A_294 = tpu.memref_slice %arg6[%dma_wait3A_290, %dma_wait3A_292, %dma_wait3A_293] : memref<5x128x128xf32, #tpu.memory_space<vmem>> -> memref<1x128x128xf32, #tpu.memory_space<vmem>>
    %dma_wait3A_295 = tpu.memref_squeeze %dma_wait3A_294 : memref<1x128x128xf32, #tpu.memory_space<vmem>> -> memref<128x128xf32, #tpu.memory_space<vmem>>
    %dma_wait3A_296 = arith.constant 0 : i32
    %dma_wait3A_297 = tpu.memref_slice %arg4[%mul3A_289, %dma_wait3A_296] : memref<204800x128xf32, #tpu.memory_space<hbm>> -> memref<128x128xf32, #tpu.memory_space<hbm>>
    %dma_wait3A_298 = tpu.memref_slice %arg8[%dma_wait3A_291] : memref<5x!tpu.dma_semaphore, #tpu.memory_space<semaphore_mem>> -> memref<1x!tpu.dma_semaphore, #tpu.memory_space<semaphore_mem>>
    %dma_wait3A_299 = tpu.memref_squeeze %dma_wait3A_298 : memref<1x!tpu.dma_semaphore, #tpu.memory_space<semaphore_mem>> -> memref<!tpu.dma_semaphore, #tpu.memory_space<semaphore_mem>>
    %dma_wait3A_300 = arith.constant 0 : i32
    %dma_wait3A_301 = tpu.memref_slice %arg4[%mul3A_289, %dma_wait3A_300] : memref<204800x128xf32, #tpu.memory_space<hbm>> -> memref<128x128xf32, #tpu.memory_space<hbm>>
    %dma_wait3A_302 = arith.constant 0 : i32
    %dma_wait3A_303 = arith.constant 0 : i32
    %dma_wait3A_304 = tpu.memref_slice %arg6[%dma_wait3A_290, %dma_wait3A_302, %dma_wait3A_303] : memref<5x128x128xf32, #tpu.memory_space<vmem>> -> memref<1x128x128xf32, #tpu.memory_space<vmem>>
    %dma_wait3A_305 = tpu.memref_squeeze %dma_wait3A_304 : memref<1x128x128xf32, #tpu.memory_space<vmem>> -> memref<128x128xf32, #tpu.memory_space<vmem>>
    tpu.wait_dma2 semaphore(%dma_wait3A_299 : memref<!tpu.dma_semaphore, #tpu.memory_space<semaphore_mem>>) src(%dma_wait3A_305 : memref<128x128xf32, #tpu.memory_space<vmem>>) dst(%dma_wait3A_301 : memref<128x128xf32, #tpu.memory_space<hbm>>)
    %dma_start3A_306 = arith.constant 6 : i32
    %dma_start3A_307 = arith.constant 1 : i32
    %dma_start3A_308 = arith.constant 1 : i32
    %dma_start3A_309 = arith.constant 0 : i32
    %dma_start3A_310 = arith.constant 0 : i32
    %dma_start3A_311 = tpu.memref_slice %arg6[%dma_start3A_307, %dma_start3A_309, %dma_start3A_310] : memref<5x128x128xf32, #tpu.memory_space<vmem>> -> memref<1x128x128xf32, #tpu.memory_space<vmem>>
    %dma_start3A_312 = tpu.memref_squeeze %dma_start3A_311 : memref<1x128x128xf32, #tpu.memory_space<vmem>> -> memref<128x128xf32, #tpu.memory_space<vmem>>
    %dma_start3A_313 = arith.constant 0 : i32
    %dma_start3A_314 = tpu.memref_slice %arg5[%dma_start3A_306, %dma_start3A_313] : memref<50x128xi32, #tpu.memory_space<vmem>> -> memref<1x128xi32, #tpu.memory_space<vmem>>
    %dma_start3A_315 = tpu.memref_squeeze %dma_start3A_314 : memref<1x128xi32, #tpu.memory_space<vmem>> -> memref<128xi32, #tpu.memory_space<vmem>>
    %dma_start3A_316 = arith.constant 0 : i32
    %dma_start3A_317 = arith.constant 0 : i32
    %dma_start3A_318 = tpu.memref_slice %arg2[%dma_start3A_316, %dma_start3A_317] : memref<100000x128xf32, #tpu.memory_space<hbm>> -> memref<100000x128xf32, #tpu.memory_space<hbm>>
    %dma_start3A_319 = tpu.memref_slice %arg7[%dma_start3A_308] : memref<5x!tpu.dma_semaphore, #tpu.memory_space<semaphore_mem>> -> memref<1x!tpu.dma_semaphore, #tpu.memory_space<semaphore_mem>>
    %dma_start3A_320 = tpu.memref_squeeze %dma_start3A_319 : memref<1x!tpu.dma_semaphore, #tpu.memory_space<semaphore_mem>> -> memref<!tpu.dma_semaphore, #tpu.memory_space<semaphore_mem>>
    tpu.enqueue_indirect_dma source(%dma_start3A_318 : memref<100000x128xf32, #tpu.memory_space<hbm>>) target(%dma_start3A_312 : memref<128x128xf32, #tpu.memory_space<vmem>>) offsets(%dma_start3A_315 : memref<128xi32, #tpu.memory_space<vmem>>) semaphore(%dma_start3A_320 : memref<!tpu.dma_semaphore, #tpu.memory_space<semaphore_mem>>)
    %scan3A = arith.constant 0 : i32
    %scan3A_321 = arith.constant 1 : i32
    %scan3A_322 = arith.constant 8 : i32
    %scan3A_323 = arith.addi %scan3A_321, %scan3A_322 : i32
    %scan3A_324 = arith.constant 1 : i32
    scf.for %scan3A_706 = %scan3A_321 to %scan3A_323 step %scan3A_324  : i32 {
      %mul3A_707 = arith.constant 5 : i32
      %mul3A_708 = arith.muli %scan3A_706, %mul3A_707 : i32
      %add3A_709 = arith.constant 0 : i32
      %add3A_710 = arith.addi %mul3A_708, %add3A_709 : i32
      %dma_wait3A_711 = arith.constant 0 : i32
      %dma_wait3A_712 = arith.constant 0 : i32
      %dma_wait3A_713 = arith.constant 0 : i32
      %dma_wait3A_714 = arith.constant 0 : i32
      %dma_wait3A_715 = tpu.memref_slice %arg6[%dma_wait3A_711, %dma_wait3A_713, %dma_wait3A_714] : memref<5x128x128xf32, #tpu.memory_space<vmem>> -> memref<1x128x128xf32, #tpu.memory_space<vmem>>
      %dma_wait3A_716 = tpu.memref_squeeze %dma_wait3A_715 : memref<1x128x128xf32, #tpu.memory_space<vmem>> -> memref<128x128xf32, #tpu.memory_space<vmem>>
      %dma_wait3A_717 = arith.constant 0 : i32
      %dma_wait3A_718 = tpu.memref_slice %arg5[%add3A_710, %dma_wait3A_717] : memref<50x128xi32, #tpu.memory_space<vmem>> -> memref<1x128xi32, #tpu.memory_space<vmem>>
      %dma_wait3A_719 = tpu.memref_squeeze %dma_wait3A_718 : memref<1x128xi32, #tpu.memory_space<vmem>> -> memref<128xi32, #tpu.memory_space<vmem>>
      %dma_wait3A_720 = arith.constant 0 : i32
      %dma_wait3A_721 = arith.constant 0 : i32
      %dma_wait3A_722 = tpu.memref_slice %arg2[%dma_wait3A_720, %dma_wait3A_721] : memref<100000x128xf32, #tpu.memory_space<hbm>> -> memref<100000x128xf32, #tpu.memory_space<hbm>>
      %dma_wait3A_723 = tpu.memref_slice %arg7[%dma_wait3A_712] : memref<5x!tpu.dma_semaphore, #tpu.memory_space<semaphore_mem>> -> memref<1x!tpu.dma_semaphore, #tpu.memory_space<semaphore_mem>>
      %dma_wait3A_724 = tpu.memref_squeeze %dma_wait3A_723 : memref<1x!tpu.dma_semaphore, #tpu.memory_space<semaphore_mem>> -> memref<!tpu.dma_semaphore, #tpu.memory_space<semaphore_mem>>
      tpu.wait_indirect_dma semaphore(%dma_wait3A_724 : memref<!tpu.dma_semaphore, #tpu.memory_space<semaphore_mem>>) src(%dma_wait3A_722 : memref<100000x128xf32, #tpu.memory_space<hbm>>) dst(%dma_wait3A_716 : memref<128x128xf32, #tpu.memory_space<vmem>>)
      %add3A_725 = arith.addi %mul3A_2, %add3A_710 : i32
      %mul3A_726 = arith.constant 128 : i32
      %mul3A_727 = arith.muli %add3A_725, %mul3A_726 : i32
      %dma_start3A_728 = arith.constant 0 : i32
      %dma_start3A_729 = arith.constant 0 : i32
      %dma_start3A_730 = arith.constant 0 : i32
      %dma_start3A_731 = arith.constant 0 : i32
      %dma_start3A_732 = tpu.memref_slice %arg6[%dma_start3A_728, %dma_start3A_730, %dma_start3A_731] : memref<5x128x128xf32, #tpu.memory_space<vmem>> -> memref<1x128x128xf32, #tpu.memory_space<vmem>>
      %dma_start3A_733 = tpu.memref_squeeze %dma_start3A_732 : memref<1x128x128xf32, #tpu.memory_space<vmem>> -> memref<128x128xf32, #tpu.memory_space<vmem>>
      %dma_start3A_734 = arith.constant 0 : i32
      %dma_start3A_735 = tpu.memref_slice %arg4[%mul3A_727, %dma_start3A_734] : memref<204800x128xf32, #tpu.memory_space<hbm>> -> memref<128x128xf32, #tpu.memory_space<hbm>>
      %dma_start3A_736 = tpu.memref_slice %arg8[%dma_start3A_729] : memref<5x!tpu.dma_semaphore, #tpu.memory_space<semaphore_mem>> -> memref<1x!tpu.dma_semaphore, #tpu.memory_space<semaphore_mem>>
      %dma_start3A_737 = tpu.memref_squeeze %dma_start3A_736 : memref<1x!tpu.dma_semaphore, #tpu.memory_space<semaphore_mem>> -> memref<!tpu.dma_semaphore, #tpu.memory_space<semaphore_mem>>
      %dma_start3A_738 = arith.constant 0 : i32
      %dma_start3A_739 = tpu.memref_slice %arg4[%mul3A_727, %dma_start3A_738] : memref<204800x128xf32, #tpu.memory_space<hbm>> -> memref<128x128xf32, #tpu.memory_space<hbm>>
      %dma_start3A_740 = arith.constant 0 : i32
      %dma_start3A_741 = arith.constant 0 : i32
      %dma_start3A_742 = tpu.memref_slice %arg6[%dma_start3A_728, %dma_start3A_740, %dma_start3A_741] : memref<5x128x128xf32, #tpu.memory_space<vmem>> -> memref<1x128x128xf32, #tpu.memory_space<vmem>>
      %dma_start3A_743 = tpu.memref_squeeze %dma_start3A_742 : memref<1x128x128xf32, #tpu.memory_space<vmem>> -> memref<128x128xf32, #tpu.memory_space<vmem>>
      tpu.enqueue_dma source(%dma_start3A_743 : memref<128x128xf32, #tpu.memory_space<vmem>>) target(%dma_start3A_739 : memref<128x128xf32, #tpu.memory_space<hbm>>) target_semaphore(%dma_start3A_737 : memref<!tpu.dma_semaphore, #tpu.memory_space<semaphore_mem>>)
      %add3A_744 = arith.constant 2 : i32
      %add3A_745 = arith.addi %add3A_710, %add3A_744 : i32
      %sub3A = arith.constant 5 : i32
      %sub3A_746 = arith.subi %add3A_745, %sub3A : i32
      %add3A_747 = arith.addi %mul3A_2, %sub3A_746 : i32
      %mul3A_748 = arith.constant 128 : i32
      %mul3A_749 = arith.muli %add3A_747, %mul3A_748 : i32
      %dma_wait3A_750 = arith.constant 2 : i32
      %dma_wait3A_751 = arith.constant 2 : i32
      %dma_wait3A_752 = arith.constant 0 : i32
      %dma_wait3A_753 = arith.constant 0 : i32
      %dma_wait3A_754 = tpu.memref_slice %arg6[%dma_wait3A_750, %dma_wait3A_752, %dma_wait3A_753] : memref<5x128x128xf32, #tpu.memory_space<vmem>> -> memref<1x128x128xf32, #tpu.memory_space<vmem>>
      %dma_wait3A_755 = tpu.memref_squeeze %dma_wait3A_754 : memref<1x128x128xf32, #tpu.memory_space<vmem>> -> memref<128x128xf32, #tpu.memory_space<vmem>>
      %dma_wait3A_756 = arith.constant 0 : i32
      %dma_wait3A_757 = tpu.memref_slice %arg4[%mul3A_749, %dma_wait3A_756] : memref<204800x128xf32, #tpu.memory_space<hbm>> -> memref<128x128xf32, #tpu.memory_space<hbm>>
      %dma_wait3A_758 = tpu.memref_slice %arg8[%dma_wait3A_751] : memref<5x!tpu.dma_semaphore, #tpu.memory_space<semaphore_mem>> -> memref<1x!tpu.dma_semaphore, #tpu.memory_space<semaphore_mem>>
      %dma_wait3A_759 = tpu.memref_squeeze %dma_wait3A_758 : memref<1x!tpu.dma_semaphore, #tpu.memory_space<semaphore_mem>> -> memref<!tpu.dma_semaphore, #tpu.memory_space<semaphore_mem>>
      %dma_wait3A_760 = arith.constant 0 : i32
      %dma_wait3A_761 = tpu.memref_slice %arg4[%mul3A_749, %dma_wait3A_760] : memref<204800x128xf32, #tpu.memory_space<hbm>> -> memref<128x128xf32, #tpu.memory_space<hbm>>
      %dma_wait3A_762 = arith.constant 0 : i32
      %dma_wait3A_763 = arith.constant 0 : i32
      %dma_wait3A_764 = tpu.memref_slice %arg6[%dma_wait3A_750, %dma_wait3A_762, %dma_wait3A_763] : memref<5x128x128xf32, #tpu.memory_space<vmem>> -> memref<1x128x128xf32, #tpu.memory_space<vmem>>
      %dma_wait3A_765 = tpu.memref_squeeze %dma_wait3A_764 : memref<1x128x128xf32, #tpu.memory_space<vmem>> -> memref<128x128xf32, #tpu.memory_space<vmem>>
      tpu.wait_dma2 semaphore(%dma_wait3A_759 : memref<!tpu.dma_semaphore, #tpu.memory_space<semaphore_mem>>) src(%dma_wait3A_765 : memref<128x128xf32, #tpu.memory_space<vmem>>) dst(%dma_wait3A_761 : memref<128x128xf32, #tpu.memory_space<hbm>>)
      %add3A_766 = arith.constant 2 : i32
      %add3A_767 = arith.addi %add3A_710, %add3A_766 : i32
      %dma_start3A_768 = arith.constant 2 : i32
      %dma_start3A_769 = arith.constant 2 : i32
      %dma_start3A_770 = arith.constant 0 : i32
      %dma_start3A_771 = arith.constant 0 : i32
      %dma_start3A_772 = tpu.memref_slice %arg6[%dma_start3A_768, %dma_start3A_770, %dma_start3A_771] : memref<5x128x128xf32, #tpu.memory_space<vmem>> -> memref<1x128x128xf32, #tpu.memory_space<vmem>>
      %dma_start3A_773 = tpu.memref_squeeze %dma_start3A_772 : memref<1x128x128xf32, #tpu.memory_space<vmem>> -> memref<128x128xf32, #tpu.memory_space<vmem>>
      %dma_start3A_774 = arith.constant 0 : i32
      %dma_start3A_775 = tpu.memref_slice %arg5[%add3A_767, %dma_start3A_774] : memref<50x128xi32, #tpu.memory_space<vmem>> -> memref<1x128xi32, #tpu.memory_space<vmem>>
      %dma_start3A_776 = tpu.memref_squeeze %dma_start3A_775 : memref<1x128xi32, #tpu.memory_space<vmem>> -> memref<128xi32, #tpu.memory_space<vmem>>
      %dma_start3A_777 = arith.constant 0 : i32
      %dma_start3A_778 = arith.constant 0 : i32
      %dma_start3A_779 = tpu.memref_slice %arg2[%dma_start3A_777, %dma_start3A_778] : memref<100000x128xf32, #tpu.memory_space<hbm>> -> memref<100000x128xf32, #tpu.memory_space<hbm>>
      %dma_start3A_780 = tpu.memref_slice %arg7[%dma_start3A_769] : memref<5x!tpu.dma_semaphore, #tpu.memory_space<semaphore_mem>> -> memref<1x!tpu.dma_semaphore, #tpu.memory_space<semaphore_mem>>
      %dma_start3A_781 = tpu.memref_squeeze %dma_start3A_780 : memref<1x!tpu.dma_semaphore, #tpu.memory_space<semaphore_mem>> -> memref<!tpu.dma_semaphore, #tpu.memory_space<semaphore_mem>>
      tpu.enqueue_indirect_dma source(%dma_start3A_779 : memref<100000x128xf32, #tpu.memory_space<hbm>>) target(%dma_start3A_773 : memref<128x128xf32, #tpu.memory_space<vmem>>) offsets(%dma_start3A_776 : memref<128xi32, #tpu.memory_space<vmem>>) semaphore(%dma_start3A_781 : memref<!tpu.dma_semaphore, #tpu.memory_space<semaphore_mem>>)
      %mul3A_782 = arith.constant 5 : i32
      %mul3A_783 = arith.muli %scan3A_706, %mul3A_782 : i32
      %add3A_784 = arith.constant 1 : i32
      %add3A_785 = arith.addi %mul3A_783, %add3A_784 : i32
      %dma_wait3A_786 = arith.constant 1 : i32
      %dma_wait3A_787 = arith.constant 1 : i32
      %dma_wait3A_788 = arith.constant 0 : i32
      %dma_wait3A_789 = arith.constant 0 : i32
      %dma_wait3A_790 = tpu.memref_slice %arg6[%dma_wait3A_786, %dma_wait3A_788, %dma_wait3A_789] : memref<5x128x128xf32, #tpu.memory_space<vmem>> -> memref<1x128x128xf32, #tpu.memory_space<vmem>>
      %dma_wait3A_791 = tpu.memref_squeeze %dma_wait3A_790 : memref<1x128x128xf32, #tpu.memory_space<vmem>> -> memref<128x128xf32, #tpu.memory_space<vmem>>
      %dma_wait3A_792 = arith.constant 0 : i32
      %dma_wait3A_793 = tpu.memref_slice %arg5[%add3A_785, %dma_wait3A_792] : memref<50x128xi32, #tpu.memory_space<vmem>> -> memref<1x128xi32, #tpu.memory_space<vmem>>
      %dma_wait3A_794 = tpu.memref_squeeze %dma_wait3A_793 : memref<1x128xi32, #tpu.memory_space<vmem>> -> memref<128xi32, #tpu.memory_space<vmem>>
      %dma_wait3A_795 = arith.constant 0 : i32
      %dma_wait3A_796 = arith.constant 0 : i32
      %dma_wait3A_797 = tpu.memref_slice %arg2[%dma_wait3A_795, %dma_wait3A_796] : memref<100000x128xf32, #tpu.memory_space<hbm>> -> memref<100000x128xf32, #tpu.memory_space<hbm>>
      %dma_wait3A_798 = tpu.memref_slice %arg7[%dma_wait3A_787] : memref<5x!tpu.dma_semaphore, #tpu.memory_space<semaphore_mem>> -> memref<1x!tpu.dma_semaphore, #tpu.memory_space<semaphore_mem>>
      %dma_wait3A_799 = tpu.memref_squeeze %dma_wait3A_798 : memref<1x!tpu.dma_semaphore, #tpu.memory_space<semaphore_mem>> -> memref<!tpu.dma_semaphore, #tpu.memory_space<semaphore_mem>>
      tpu.wait_indirect_dma semaphore(%dma_wait3A_799 : memref<!tpu.dma_semaphore, #tpu.memory_space<semaphore_mem>>) src(%dma_wait3A_797 : memref<100000x128xf32, #tpu.memory_space<hbm>>) dst(%dma_wait3A_791 : memref<128x128xf32, #tpu.memory_space<vmem>>)
      %add3A_800 = arith.addi %mul3A_2, %add3A_785 : i32
      %mul3A_801 = arith.constant 128 : i32
      %mul3A_802 = arith.muli %add3A_800, %mul3A_801 : i32
      %dma_start3A_803 = arith.constant 1 : i32
      %dma_start3A_804 = arith.constant 1 : i32
      %dma_start3A_805 = arith.constant 0 : i32
      %dma_start3A_806 = arith.constant 0 : i32
      %dma_start3A_807 = tpu.memref_slice %arg6[%dma_start3A_803, %dma_start3A_805, %dma_start3A_806] : memref<5x128x128xf32, #tpu.memory_space<vmem>> -> memref<1x128x128xf32, #tpu.memory_space<vmem>>
      %dma_start3A_808 = tpu.memref_squeeze %dma_start3A_807 : memref<1x128x128xf32, #tpu.memory_space<vmem>> -> memref<128x128xf32, #tpu.memory_space<vmem>>
      %dma_start3A_809 = arith.constant 0 : i32
      %dma_start3A_810 = tpu.memref_slice %arg4[%mul3A_802, %dma_start3A_809] : memref<204800x128xf32, #tpu.memory_space<hbm>> -> memref<128x128xf32, #tpu.memory_space<hbm>>
      %dma_start3A_811 = tpu.memref_slice %arg8[%dma_start3A_804] : memref<5x!tpu.dma_semaphore, #tpu.memory_space<semaphore_mem>> -> memref<1x!tpu.dma_semaphore, #tpu.memory_space<semaphore_mem>>
      %dma_start3A_812 = tpu.memref_squeeze %dma_start3A_811 : memref<1x!tpu.dma_semaphore, #tpu.memory_space<semaphore_mem>> -> memref<!tpu.dma_semaphore, #tpu.memory_space<semaphore_mem>>
      %dma_start3A_813 = arith.constant 0 : i32
      %dma_start3A_814 = tpu.memref_slice %arg4[%mul3A_802, %dma_start3A_813] : memref<204800x128xf32, #tpu.memory_space<hbm>> -> memref<128x128xf32, #tpu.memory_space<hbm>>
      %dma_start3A_815 = arith.constant 0 : i32
      %dma_start3A_816 = arith.constant 0 : i32
      %dma_start3A_817 = tpu.memref_slice %arg6[%dma_start3A_803, %dma_start3A_815, %dma_start3A_816] : memref<5x128x128xf32, #tpu.memory_space<vmem>> -> memref<1x128x128xf32, #tpu.memory_space<vmem>>
      %dma_start3A_818 = tpu.memref_squeeze %dma_start3A_817 : memref<1x128x128xf32, #tpu.memory_space<vmem>> -> memref<128x128xf32, #tpu.memory_space<vmem>>
      tpu.enqueue_dma source(%dma_start3A_818 : memref<128x128xf32, #tpu.memory_space<vmem>>) target(%dma_start3A_814 : memref<128x128xf32, #tpu.memory_space<hbm>>) target_semaphore(%dma_start3A_812 : memref<!tpu.dma_semaphore, #tpu.memory_space<semaphore_mem>>)
      %add3A_819 = arith.constant 2 : i32
      %add3A_820 = arith.addi %add3A_785, %add3A_819 : i32
      %sub3A_821 = arith.constant 5 : i32
      %sub3A_822 = arith.subi %add3A_820, %sub3A_821 : i32
      %add3A_823 = arith.addi %mul3A_2, %sub3A_822 : i32
      %mul3A_824 = arith.constant 128 : i32
      %mul3A_825 = arith.muli %add3A_823, %mul3A_824 : i32
      %dma_wait3A_826 = arith.constant 3 : i32
      %dma_wait3A_827 = arith.constant 3 : i32
      %dma_wait3A_828 = arith.constant 0 : i32
      %dma_wait3A_829 = arith.constant 0 : i32
      %dma_wait3A_830 = tpu.memref_slice %arg6[%dma_wait3A_826, %dma_wait3A_828, %dma_wait3A_829] : memref<5x128x128xf32, #tpu.memory_space<vmem>> -> memref<1x128x128xf32, #tpu.memory_space<vmem>>
      %dma_wait3A_831 = tpu.memref_squeeze %dma_wait3A_830 : memref<1x128x128xf32, #tpu.memory_space<vmem>> -> memref<128x128xf32, #tpu.memory_space<vmem>>
      %dma_wait3A_832 = arith.constant 0 : i32
      %dma_wait3A_833 = tpu.memref_slice %arg4[%mul3A_825, %dma_wait3A_832] : memref<204800x128xf32, #tpu.memory_space<hbm>> -> memref<128x128xf32, #tpu.memory_space<hbm>>
      %dma_wait3A_834 = tpu.memref_slice %arg8[%dma_wait3A_827] : memref<5x!tpu.dma_semaphore, #tpu.memory_space<semaphore_mem>> -> memref<1x!tpu.dma_semaphore, #tpu.memory_space<semaphore_mem>>
      %dma_wait3A_835 = tpu.memref_squeeze %dma_wait3A_834 : memref<1x!tpu.dma_semaphore, #tpu.memory_space<semaphore_mem>> -> memref<!tpu.dma_semaphore, #tpu.memory_space<semaphore_mem>>
      %dma_wait3A_836 = arith.constant 0 : i32
      %dma_wait3A_837 = tpu.memref_slice %arg4[%mul3A_825, %dma_wait3A_836] : memref<204800x128xf32, #tpu.memory_space<hbm>> -> memref<128x128xf32, #tpu.memory_space<hbm>>
      %dma_wait3A_838 = arith.constant 0 : i32
      %dma_wait3A_839 = arith.constant 0 : i32
      %dma_wait3A_840 = tpu.memref_slice %arg6[%dma_wait3A_826, %dma_wait3A_838, %dma_wait3A_839] : memref<5x128x128xf32, #tpu.memory_space<vmem>> -> memref<1x128x128xf32, #tpu.memory_space<vmem>>
      %dma_wait3A_841 = tpu.memref_squeeze %dma_wait3A_840 : memref<1x128x128xf32, #tpu.memory_space<vmem>> -> memref<128x128xf32, #tpu.memory_space<vmem>>
      tpu.wait_dma2 semaphore(%dma_wait3A_835 : memref<!tpu.dma_semaphore, #tpu.memory_space<semaphore_mem>>) src(%dma_wait3A_841 : memref<128x128xf32, #tpu.memory_space<vmem>>) dst(%dma_wait3A_837 : memref<128x128xf32, #tpu.memory_space<hbm>>)
      %add3A_842 = arith.constant 2 : i32
      %add3A_843 = arith.addi %add3A_785, %add3A_842 : i32
      %dma_start3A_844 = arith.constant 3 : i32
      %dma_start3A_845 = arith.constant 3 : i32
      %dma_start3A_846 = arith.constant 0 : i32
      %dma_start3A_847 = arith.constant 0 : i32
      %dma_start3A_848 = tpu.memref_slice %arg6[%dma_start3A_844, %dma_start3A_846, %dma_start3A_847] : memref<5x128x128xf32, #tpu.memory_space<vmem>> -> memref<1x128x128xf32, #tpu.memory_space<vmem>>
      %dma_start3A_849 = tpu.memref_squeeze %dma_start3A_848 : memref<1x128x128xf32, #tpu.memory_space<vmem>> -> memref<128x128xf32, #tpu.memory_space<vmem>>
      %dma_start3A_850 = arith.constant 0 : i32
      %dma_start3A_851 = tpu.memref_slice %arg5[%add3A_843, %dma_start3A_850] : memref<50x128xi32, #tpu.memory_space<vmem>> -> memref<1x128xi32, #tpu.memory_space<vmem>>
      %dma_start3A_852 = tpu.memref_squeeze %dma_start3A_851 : memref<1x128xi32, #tpu.memory_space<vmem>> -> memref<128xi32, #tpu.memory_space<vmem>>
      %dma_start3A_853 = arith.constant 0 : i32
      %dma_start3A_854 = arith.constant 0 : i32
      %dma_start3A_855 = tpu.memref_slice %arg2[%dma_start3A_853, %dma_start3A_854] : memref<100000x128xf32, #tpu.memory_space<hbm>> -> memref<100000x128xf32, #tpu.memory_space<hbm>>
      %dma_start3A_856 = tpu.memref_slice %arg7[%dma_start3A_845] : memref<5x!tpu.dma_semaphore, #tpu.memory_space<semaphore_mem>> -> memref<1x!tpu.dma_semaphore, #tpu.memory_space<semaphore_mem>>
      %dma_start3A_857 = tpu.memref_squeeze %dma_start3A_856 : memref<1x!tpu.dma_semaphore, #tpu.memory_space<semaphore_mem>> -> memref<!tpu.dma_semaphore, #tpu.memory_space<semaphore_mem>>
      tpu.enqueue_indirect_dma source(%dma_start3A_855 : memref<100000x128xf32, #tpu.memory_space<hbm>>) target(%dma_start3A_849 : memref<128x128xf32, #tpu.memory_space<vmem>>) offsets(%dma_start3A_852 : memref<128xi32, #tpu.memory_space<vmem>>) semaphore(%dma_start3A_857 : memref<!tpu.dma_semaphore, #tpu.memory_space<semaphore_mem>>)
      %mul3A_858 = arith.constant 5 : i32
      %mul3A_859 = arith.muli %scan3A_706, %mul3A_858 : i32
      %add3A_860 = arith.constant 2 : i32
      %add3A_861 = arith.addi %mul3A_859, %add3A_860 : i32
      %dma_wait3A_862 = arith.constant 2 : i32
      %dma_wait3A_863 = arith.constant 2 : i32
      %dma_wait3A_864 = arith.constant 0 : i32
      %dma_wait3A_865 = arith.constant 0 : i32
      %dma_wait3A_866 = tpu.memref_slice %arg6[%dma_wait3A_862, %dma_wait3A_864, %dma_wait3A_865] : memref<5x128x128xf32, #tpu.memory_space<vmem>> -> memref<1x128x128xf32, #tpu.memory_space<vmem>>
      %dma_wait3A_867 = tpu.memref_squeeze %dma_wait3A_866 : memref<1x128x128xf32, #tpu.memory_space<vmem>> -> memref<128x128xf32, #tpu.memory_space<vmem>>
      %dma_wait3A_868 = arith.constant 0 : i32
      %dma_wait3A_869 = tpu.memref_slice %arg5[%add3A_861, %dma_wait3A_868] : memref<50x128xi32, #tpu.memory_space<vmem>> -> memref<1x128xi32, #tpu.memory_space<vmem>>
      %dma_wait3A_870 = tpu.memref_squeeze %dma_wait3A_869 : memref<1x128xi32, #tpu.memory_space<vmem>> -> memref<128xi32, #tpu.memory_space<vmem>>
      %dma_wait3A_871 = arith.constant 0 : i32
      %dma_wait3A_872 = arith.constant 0 : i32
      %dma_wait3A_873 = tpu.memref_slice %arg2[%dma_wait3A_871, %dma_wait3A_872] : memref<100000x128xf32, #tpu.memory_space<hbm>> -> memref<100000x128xf32, #tpu.memory_space<hbm>>
      %dma_wait3A_874 = tpu.memref_slice %arg7[%dma_wait3A_863] : memref<5x!tpu.dma_semaphore, #tpu.memory_space<semaphore_mem>> -> memref<1x!tpu.dma_semaphore, #tpu.memory_space<semaphore_mem>>
      %dma_wait3A_875 = tpu.memref_squeeze %dma_wait3A_874 : memref<1x!tpu.dma_semaphore, #tpu.memory_space<semaphore_mem>> -> memref<!tpu.dma_semaphore, #tpu.memory_space<semaphore_mem>>
      tpu.wait_indirect_dma semaphore(%dma_wait3A_875 : memref<!tpu.dma_semaphore, #tpu.memory_space<semaphore_mem>>) src(%dma_wait3A_873 : memref<100000x128xf32, #tpu.memory_space<hbm>>) dst(%dma_wait3A_867 : memref<128x128xf32, #tpu.memory_space<vmem>>)
      %add3A_876 = arith.addi %mul3A_2, %add3A_861 : i32
      %mul3A_877 = arith.constant 128 : i32
      %mul3A_878 = arith.muli %add3A_876, %mul3A_877 : i32
      %dma_start3A_879 = arith.constant 2 : i32
      %dma_start3A_880 = arith.constant 2 : i32
      %dma_start3A_881 = arith.constant 0 : i32
      %dma_start3A_882 = arith.constant 0 : i32
      %dma_start3A_883 = tpu.memref_slice %arg6[%dma_start3A_879, %dma_start3A_881, %dma_start3A_882] : memref<5x128x128xf32, #tpu.memory_space<vmem>> -> memref<1x128x128xf32, #tpu.memory_space<vmem>>
      %dma_start3A_884 = tpu.memref_squeeze %dma_start3A_883 : memref<1x128x128xf32, #tpu.memory_space<vmem>> -> memref<128x128xf32, #tpu.memory_space<vmem>>
      %dma_start3A_885 = arith.constant 0 : i32
      %dma_start3A_886 = tpu.memref_slice %arg4[%mul3A_878, %dma_start3A_885] : memref<204800x128xf32, #tpu.memory_space<hbm>> -> memref<128x128xf32, #tpu.memory_space<hbm>>
      %dma_start3A_887 = tpu.memref_slice %arg8[%dma_start3A_880] : memref<5x!tpu.dma_semaphore, #tpu.memory_space<semaphore_mem>> -> memref<1x!tpu.dma_semaphore, #tpu.memory_space<semaphore_mem>>
      %dma_start3A_888 = tpu.memref_squeeze %dma_start3A_887 : memref<1x!tpu.dma_semaphore, #tpu.memory_space<semaphore_mem>> -> memref<!tpu.dma_semaphore, #tpu.memory_space<semaphore_mem>>
      %dma_start3A_889 = arith.constant 0 : i32
      %dma_start3A_890 = tpu.memref_slice %arg4[%mul3A_878, %dma_start3A_889] : memref<204800x128xf32, #tpu.memory_space<hbm>> -> memref<128x128xf32, #tpu.memory_space<hbm>>
      %dma_start3A_891 = arith.constant 0 : i32
      %dma_start3A_892 = arith.constant 0 : i32
      %dma_start3A_893 = tpu.memref_slice %arg6[%dma_start3A_879, %dma_start3A_891, %dma_start3A_892] : memref<5x128x128xf32, #tpu.memory_space<vmem>> -> memref<1x128x128xf32, #tpu.memory_space<vmem>>
      %dma_start3A_894 = tpu.memref_squeeze %dma_start3A_893 : memref<1x128x128xf32, #tpu.memory_space<vmem>> -> memref<128x128xf32, #tpu.memory_space<vmem>>
      tpu.enqueue_dma source(%dma_start3A_894 : memref<128x128xf32, #tpu.memory_space<vmem>>) target(%dma_start3A_890 : memref<128x128xf32, #tpu.memory_space<hbm>>) target_semaphore(%dma_start3A_888 : memref<!tpu.dma_semaphore, #tpu.memory_space<semaphore_mem>>)
      %add3A_895 = arith.constant 2 : i32
      %add3A_896 = arith.addi %add3A_861, %add3A_895 : i32
      %sub3A_897 = arith.constant 5 : i32
      %sub3A_898 = arith.subi %add3A_896, %sub3A_897 : i32
      %add3A_899 = arith.addi %mul3A_2, %sub3A_898 : i32
      %mul3A_900 = arith.constant 128 : i32
      %mul3A_901 = arith.muli %add3A_899, %mul3A_900 : i32
      %dma_wait3A_902 = arith.constant 4 : i32
      %dma_wait3A_903 = arith.constant 4 : i32
      %dma_wait3A_904 = arith.constant 0 : i32
      %dma_wait3A_905 = arith.constant 0 : i32
      %dma_wait3A_906 = tpu.memref_slice %arg6[%dma_wait3A_902, %dma_wait3A_904, %dma_wait3A_905] : memref<5x128x128xf32, #tpu.memory_space<vmem>> -> memref<1x128x128xf32, #tpu.memory_space<vmem>>
      %dma_wait3A_907 = tpu.memref_squeeze %dma_wait3A_906 : memref<1x128x128xf32, #tpu.memory_space<vmem>> -> memref<128x128xf32, #tpu.memory_space<vmem>>
      %dma_wait3A_908 = arith.constant 0 : i32
      %dma_wait3A_909 = tpu.memref_slice %arg4[%mul3A_901, %dma_wait3A_908] : memref<204800x128xf32, #tpu.memory_space<hbm>> -> memref<128x128xf32, #tpu.memory_space<hbm>>
      %dma_wait3A_910 = tpu.memref_slice %arg8[%dma_wait3A_903] : memref<5x!tpu.dma_semaphore, #tpu.memory_space<semaphore_mem>> -> memref<1x!tpu.dma_semaphore, #tpu.memory_space<semaphore_mem>>
      %dma_wait3A_911 = tpu.memref_squeeze %dma_wait3A_910 : memref<1x!tpu.dma_semaphore, #tpu.memory_space<semaphore_mem>> -> memref<!tpu.dma_semaphore, #tpu.memory_space<semaphore_mem>>
      %dma_wait3A_912 = arith.constant 0 : i32
      %dma_wait3A_913 = tpu.memref_slice %arg4[%mul3A_901, %dma_wait3A_912] : memref<204800x128xf32, #tpu.memory_space<hbm>> -> memref<128x128xf32, #tpu.memory_space<hbm>>
      %dma_wait3A_914 = arith.constant 0 : i32
      %dma_wait3A_915 = arith.constant 0 : i32
      %dma_wait3A_916 = tpu.memref_slice %arg6[%dma_wait3A_902, %dma_wait3A_914, %dma_wait3A_915] : memref<5x128x128xf32, #tpu.memory_space<vmem>> -> memref<1x128x128xf32, #tpu.memory_space<vmem>>
      %dma_wait3A_917 = tpu.memref_squeeze %dma_wait3A_916 : memref<1x128x128xf32, #tpu.memory_space<vmem>> -> memref<128x128xf32, #tpu.memory_space<vmem>>
      tpu.wait_dma2 semaphore(%dma_wait3A_911 : memref<!tpu.dma_semaphore, #tpu.memory_space<semaphore_mem>>) src(%dma_wait3A_917 : memref<128x128xf32, #tpu.memory_space<vmem>>) dst(%dma_wait3A_913 : memref<128x128xf32, #tpu.memory_space<hbm>>)
      %add3A_918 = arith.constant 2 : i32
      %add3A_919 = arith.addi %add3A_861, %add3A_918 : i32
      %dma_start3A_920 = arith.constant 4 : i32
      %dma_start3A_921 = arith.constant 4 : i32
      %dma_start3A_922 = arith.constant 0 : i32
      %dma_start3A_923 = arith.constant 0 : i32
      %dma_start3A_924 = tpu.memref_slice %arg6[%dma_start3A_920, %dma_start3A_922, %dma_start3A_923] : memref<5x128x128xf32, #tpu.memory_space<vmem>> -> memref<1x128x128xf32, #tpu.memory_space<vmem>>
      %dma_start3A_925 = tpu.memref_squeeze %dma_start3A_924 : memref<1x128x128xf32, #tpu.memory_space<vmem>> -> memref<128x128xf32, #tpu.memory_space<vmem>>
      %dma_start3A_926 = arith.constant 0 : i32
      %dma_start3A_927 = tpu.memref_slice %arg5[%add3A_919, %dma_start3A_926] : memref<50x128xi32, #tpu.memory_space<vmem>> -> memref<1x128xi32, #tpu.memory_space<vmem>>
      %dma_start3A_928 = tpu.memref_squeeze %dma_start3A_927 : memref<1x128xi32, #tpu.memory_space<vmem>> -> memref<128xi32, #tpu.memory_space<vmem>>
      %dma_start3A_929 = arith.constant 0 : i32
      %dma_start3A_930 = arith.constant 0 : i32
      %dma_start3A_931 = tpu.memref_slice %arg2[%dma_start3A_929, %dma_start3A_930] : memref<100000x128xf32, #tpu.memory_space<hbm>> -> memref<100000x128xf32, #tpu.memory_space<hbm>>
      %dma_start3A_932 = tpu.memref_slice %arg7[%dma_start3A_921] : memref<5x!tpu.dma_semaphore, #tpu.memory_space<semaphore_mem>> -> memref<1x!tpu.dma_semaphore, #tpu.memory_space<semaphore_mem>>
      %dma_start3A_933 = tpu.memref_squeeze %dma_start3A_932 : memref<1x!tpu.dma_semaphore, #tpu.memory_space<semaphore_mem>> -> memref<!tpu.dma_semaphore, #tpu.memory_space<semaphore_mem>>
      tpu.enqueue_indirect_dma source(%dma_start3A_931 : memref<100000x128xf32, #tpu.memory_space<hbm>>) target(%dma_start3A_925 : memref<128x128xf32, #tpu.memory_space<vmem>>) offsets(%dma_start3A_928 : memref<128xi32, #tpu.memory_space<vmem>>) semaphore(%dma_start3A_933 : memref<!tpu.dma_semaphore, #tpu.memory_space<semaphore_mem>>)
      %mul3A_934 = arith.constant 5 : i32
      %mul3A_935 = arith.muli %scan3A_706, %mul3A_934 : i32
      %add3A_936 = arith.constant 3 : i32
      %add3A_937 = arith.addi %mul3A_935, %add3A_936 : i32
      %dma_wait3A_938 = arith.constant 3 : i32
      %dma_wait3A_939 = arith.constant 3 : i32
      %dma_wait3A_940 = arith.constant 0 : i32
      %dma_wait3A_941 = arith.constant 0 : i32
      %dma_wait3A_942 = tpu.memref_slice %arg6[%dma_wait3A_938, %dma_wait3A_940, %dma_wait3A_941] : memref<5x128x128xf32, #tpu.memory_space<vmem>> -> memref<1x128x128xf32, #tpu.memory_space<vmem>>
      %dma_wait3A_943 = tpu.memref_squeeze %dma_wait3A_942 : memref<1x128x128xf32, #tpu.memory_space<vmem>> -> memref<128x128xf32, #tpu.memory_space<vmem>>
      %dma_wait3A_944 = arith.constant 0 : i32
      %dma_wait3A_945 = tpu.memref_slice %arg5[%add3A_937, %dma_wait3A_944] : memref<50x128xi32, #tpu.memory_space<vmem>> -> memref<1x128xi32, #tpu.memory_space<vmem>>
      %dma_wait3A_946 = tpu.memref_squeeze %dma_wait3A_945 : memref<1x128xi32, #tpu.memory_space<vmem>> -> memref<128xi32, #tpu.memory_space<vmem>>
      %dma_wait3A_947 = arith.constant 0 : i32
      %dma_wait3A_948 = arith.constant 0 : i32
      %dma_wait3A_949 = tpu.memref_slice %arg2[%dma_wait3A_947, %dma_wait3A_948] : memref<100000x128xf32, #tpu.memory_space<hbm>> -> memref<100000x128xf32, #tpu.memory_space<hbm>>
      %dma_wait3A_950 = tpu.memref_slice %arg7[%dma_wait3A_939] : memref<5x!tpu.dma_semaphore, #tpu.memory_space<semaphore_mem>> -> memref<1x!tpu.dma_semaphore, #tpu.memory_space<semaphore_mem>>
      %dma_wait3A_951 = tpu.memref_squeeze %dma_wait3A_950 : memref<1x!tpu.dma_semaphore, #tpu.memory_space<semaphore_mem>> -> memref<!tpu.dma_semaphore, #tpu.memory_space<semaphore_mem>>
      tpu.wait_indirect_dma semaphore(%dma_wait3A_951 : memref<!tpu.dma_semaphore, #tpu.memory_space<semaphore_mem>>) src(%dma_wait3A_949 : memref<100000x128xf32, #tpu.memory_space<hbm>>) dst(%dma_wait3A_943 : memref<128x128xf32, #tpu.memory_space<vmem>>)
      %add3A_952 = arith.addi %mul3A_2, %add3A_937 : i32
      %mul3A_953 = arith.constant 128 : i32
      %mul3A_954 = arith.muli %add3A_952, %mul3A_953 : i32
      %dma_start3A_955 = arith.constant 3 : i32
      %dma_start3A_956 = arith.constant 3 : i32
      %dma_start3A_957 = arith.constant 0 : i32
      %dma_start3A_958 = arith.constant 0 : i32
      %dma_start3A_959 = tpu.memref_slice %arg6[%dma_start3A_955, %dma_start3A_957, %dma_start3A_958] : memref<5x128x128xf32, #tpu.memory_space<vmem>> -> memref<1x128x128xf32, #tpu.memory_space<vmem>>
      %dma_start3A_960 = tpu.memref_squeeze %dma_start3A_959 : memref<1x128x128xf32, #tpu.memory_space<vmem>> -> memref<128x128xf32, #tpu.memory_space<vmem>>
      %dma_start3A_961 = arith.constant 0 : i32
      %dma_start3A_962 = tpu.memref_slice %arg4[%mul3A_954, %dma_start3A_961] : memref<204800x128xf32, #tpu.memory_space<hbm>> -> memref<128x128xf32, #tpu.memory_space<hbm>>
      %dma_start3A_963 = tpu.memref_slice %arg8[%dma_start3A_956] : memref<5x!tpu.dma_semaphore, #tpu.memory_space<semaphore_mem>> -> memref<1x!tpu.dma_semaphore, #tpu.memory_space<semaphore_mem>>
      %dma_start3A_964 = tpu.memref_squeeze %dma_start3A_963 : memref<1x!tpu.dma_semaphore, #tpu.memory_space<semaphore_mem>> -> memref<!tpu.dma_semaphore, #tpu.memory_space<semaphore_mem>>
      %dma_start3A_965 = arith.constant 0 : i32
      %dma_start3A_966 = tpu.memref_slice %arg4[%mul3A_954, %dma_start3A_965] : memref<204800x128xf32, #tpu.memory_space<hbm>> -> memref<128x128xf32, #tpu.memory_space<hbm>>
      %dma_start3A_967 = arith.constant 0 : i32
      %dma_start3A_968 = arith.constant 0 : i32
      %dma_start3A_969 = tpu.memref_slice %arg6[%dma_start3A_955, %dma_start3A_967, %dma_start3A_968] : memref<5x128x128xf32, #tpu.memory_space<vmem>> -> memref<1x128x128xf32, #tpu.memory_space<vmem>>
      %dma_start3A_970 = tpu.memref_squeeze %dma_start3A_969 : memref<1x128x128xf32, #tpu.memory_space<vmem>> -> memref<128x128xf32, #tpu.memory_space<vmem>>
      tpu.enqueue_dma source(%dma_start3A_970 : memref<128x128xf32, #tpu.memory_space<vmem>>) target(%dma_start3A_966 : memref<128x128xf32, #tpu.memory_space<hbm>>) target_semaphore(%dma_start3A_964 : memref<!tpu.dma_semaphore, #tpu.memory_space<semaphore_mem>>)
      %add3A_971 = arith.constant 2 : i32
      %add3A_972 = arith.addi %add3A_937, %add3A_971 : i32
      %sub3A_973 = arith.constant 5 : i32
      %sub3A_974 = arith.subi %add3A_972, %sub3A_973 : i32
      %add3A_975 = arith.addi %mul3A_2, %sub3A_974 : i32
      %mul3A_976 = arith.constant 128 : i32
      %mul3A_977 = arith.muli %add3A_975, %mul3A_976 : i32
      %dma_wait3A_978 = arith.constant 0 : i32
      %dma_wait3A_979 = arith.constant 0 : i32
      %dma_wait3A_980 = arith.constant 0 : i32
      %dma_wait3A_981 = arith.constant 0 : i32
      %dma_wait3A_982 = tpu.memref_slice %arg6[%dma_wait3A_978, %dma_wait3A_980, %dma_wait3A_981] : memref<5x128x128xf32, #tpu.memory_space<vmem>> -> memref<1x128x128xf32, #tpu.memory_space<vmem>>
      %dma_wait3A_983 = tpu.memref_squeeze %dma_wait3A_982 : memref<1x128x128xf32, #tpu.memory_space<vmem>> -> memref<128x128xf32, #tpu.memory_space<vmem>>
      %dma_wait3A_984 = arith.constant 0 : i32
      %dma_wait3A_985 = tpu.memref_slice %arg4[%mul3A_977, %dma_wait3A_984] : memref<204800x128xf32, #tpu.memory_space<hbm>> -> memref<128x128xf32, #tpu.memory_space<hbm>>
      %dma_wait3A_986 = tpu.memref_slice %arg8[%dma_wait3A_979] : memref<5x!tpu.dma_semaphore, #tpu.memory_space<semaphore_mem>> -> memref<1x!tpu.dma_semaphore, #tpu.memory_space<semaphore_mem>>
      %dma_wait3A_987 = tpu.memref_squeeze %dma_wait3A_986 : memref<1x!tpu.dma_semaphore, #tpu.memory_space<semaphore_mem>> -> memref<!tpu.dma_semaphore, #tpu.memory_space<semaphore_mem>>
      %dma_wait3A_988 = arith.constant 0 : i32
      %dma_wait3A_989 = tpu.memref_slice %arg4[%mul3A_977, %dma_wait3A_988] : memref<204800x128xf32, #tpu.memory_space<hbm>> -> memref<128x128xf32, #tpu.memory_space<hbm>>
      %dma_wait3A_990 = arith.constant 0 : i32
      %dma_wait3A_991 = arith.constant 0 : i32
      %dma_wait3A_992 = tpu.memref_slice %arg6[%dma_wait3A_978, %dma_wait3A_990, %dma_wait3A_991] : memref<5x128x128xf32, #tpu.memory_space<vmem>> -> memref<1x128x128xf32, #tpu.memory_space<vmem>>
      %dma_wait3A_993 = tpu.memref_squeeze %dma_wait3A_992 : memref<1x128x128xf32, #tpu.memory_space<vmem>> -> memref<128x128xf32, #tpu.memory_space<vmem>>
      tpu.wait_dma2 semaphore(%dma_wait3A_987 : memref<!tpu.dma_semaphore, #tpu.memory_space<semaphore_mem>>) src(%dma_wait3A_993 : memref<128x128xf32, #tpu.memory_space<vmem>>) dst(%dma_wait3A_989 : memref<128x128xf32, #tpu.memory_space<hbm>>)
      %add3A_994 = arith.constant 2 : i32
      %add3A_995 = arith.addi %add3A_937, %add3A_994 : i32
      %dma_start3A_996 = arith.constant 0 : i32
      %dma_start3A_997 = arith.constant 0 : i32
      %dma_start3A_998 = arith.constant 0 : i32
      %dma_start3A_999 = arith.constant 0 : i32
      %dma_start3A_1000 = tpu.memref_slice %arg6[%dma_start3A_996, %dma_start3A_998, %dma_start3A_999] : memref<5x128x128xf32, #tpu.memory_space<vmem>> -> memref<1x128x128xf32, #tpu.memory_space<vmem>>
      %dma_start3A_1001 = tpu.memref_squeeze %dma_start3A_1000 : memref<1x128x128xf32, #tpu.memory_space<vmem>> -> memref<128x128xf32, #tpu.memory_space<vmem>>
      %dma_start3A_1002 = arith.constant 0 : i32
      %dma_start3A_1003 = tpu.memref_slice %arg5[%add3A_995, %dma_start3A_1002] : memref<50x128xi32, #tpu.memory_space<vmem>> -> memref<1x128xi32, #tpu.memory_space<vmem>>
      %dma_start3A_1004 = tpu.memref_squeeze %dma_start3A_1003 : memref<1x128xi32, #tpu.memory_space<vmem>> -> memref<128xi32, #tpu.memory_space<vmem>>
      %dma_start3A_1005 = arith.constant 0 : i32
      %dma_start3A_1006 = arith.constant 0 : i32
      %dma_start3A_1007 = tpu.memref_slice %arg2[%dma_start3A_1005, %dma_start3A_1006] : memref<100000x128xf32, #tpu.memory_space<hbm>> -> memref<100000x128xf32, #tpu.memory_space<hbm>>
      %dma_start3A_1008 = tpu.memref_slice %arg7[%dma_start3A_997] : memref<5x!tpu.dma_semaphore, #tpu.memory_space<semaphore_mem>> -> memref<1x!tpu.dma_semaphore, #tpu.memory_space<semaphore_mem>>
      %dma_start3A_1009 = tpu.memref_squeeze %dma_start3A_1008 : memref<1x!tpu.dma_semaphore, #tpu.memory_space<semaphore_mem>> -> memref<!tpu.dma_semaphore, #tpu.memory_space<semaphore_mem>>
      tpu.enqueue_indirect_dma source(%dma_start3A_1007 : memref<100000x128xf32, #tpu.memory_space<hbm>>) target(%dma_start3A_1001 : memref<128x128xf32, #tpu.memory_space<vmem>>) offsets(%dma_start3A_1004 : memref<128xi32, #tpu.memory_space<vmem>>) semaphore(%dma_start3A_1009 : memref<!tpu.dma_semaphore, #tpu.memory_space<semaphore_mem>>)
      %mul3A_1010 = arith.constant 5 : i32
      %mul3A_1011 = arith.muli %scan3A_706, %mul3A_1010 : i32
      %add3A_1012 = arith.constant 4 : i32
      %add3A_1013 = arith.addi %mul3A_1011, %add3A_1012 : i32
      %dma_wait3A_1014 = arith.constant 4 : i32
      %dma_wait3A_1015 = arith.constant 4 : i32
      %dma_wait3A_1016 = arith.constant 0 : i32
      %dma_wait3A_1017 = arith.constant 0 : i32
      %dma_wait3A_1018 = tpu.memref_slice %arg6[%dma_wait3A_1014, %dma_wait3A_1016, %dma_wait3A_1017] : memref<5x128x128xf32, #tpu.memory_space<vmem>> -> memref<1x128x128xf32, #tpu.memory_space<vmem>>
      %dma_wait3A_1019 = tpu.memref_squeeze %dma_wait3A_1018 : memref<1x128x128xf32, #tpu.memory_space<vmem>> -> memref<128x128xf32, #tpu.memory_space<vmem>>
      %dma_wait3A_1020 = arith.constant 0 : i32
      %dma_wait3A_1021 = tpu.memref_slice %arg5[%add3A_1013, %dma_wait3A_1020] : memref<50x128xi32, #tpu.memory_space<vmem>> -> memref<1x128xi32, #tpu.memory_space<vmem>>
      %dma_wait3A_1022 = tpu.memref_squeeze %dma_wait3A_1021 : memref<1x128xi32, #tpu.memory_space<vmem>> -> memref<128xi32, #tpu.memory_space<vmem>>
      %dma_wait3A_1023 = arith.constant 0 : i32
      %dma_wait3A_1024 = arith.constant 0 : i32
      %dma_wait3A_1025 = tpu.memref_slice %arg2[%dma_wait3A_1023, %dma_wait3A_1024] : memref<100000x128xf32, #tpu.memory_space<hbm>> -> memref<100000x128xf32, #tpu.memory_space<hbm>>
      %dma_wait3A_1026 = tpu.memref_slice %arg7[%dma_wait3A_1015] : memref<5x!tpu.dma_semaphore, #tpu.memory_space<semaphore_mem>> -> memref<1x!tpu.dma_semaphore, #tpu.memory_space<semaphore_mem>>
      %dma_wait3A_1027 = tpu.memref_squeeze %dma_wait3A_1026 : memref<1x!tpu.dma_semaphore, #tpu.memory_space<semaphore_mem>> -> memref<!tpu.dma_semaphore, #tpu.memory_space<semaphore_mem>>
      tpu.wait_indirect_dma semaphore(%dma_wait3A_1027 : memref<!tpu.dma_semaphore, #tpu.memory_space<semaphore_mem>>) src(%dma_wait3A_1025 : memref<100000x128xf32, #tpu.memory_space<hbm>>) dst(%dma_wait3A_1019 : memref<128x128xf32, #tpu.memory_space<vmem>>)
      %add3A_1028 = arith.addi %mul3A_2, %add3A_1013 : i32
      %mul3A_1029 = arith.constant 128 : i32
      %mul3A_1030 = arith.muli %add3A_1028, %mul3A_1029 : i32
      %dma_start3A_1031 = arith.constant 4 : i32
      %dma_start3A_1032 = arith.constant 4 : i32
      %dma_start3A_1033 = arith.constant 0 : i32
      %dma_start3A_1034 = arith.constant 0 : i32
      %dma_start3A_1035 = tpu.memref_slice %arg6[%dma_start3A_1031, %dma_start3A_1033, %dma_start3A_1034] : memref<5x128x128xf32, #tpu.memory_space<vmem>> -> memref<1x128x128xf32, #tpu.memory_space<vmem>>
      %dma_start3A_1036 = tpu.memref_squeeze %dma_start3A_1035 : memref<1x128x128xf32, #tpu.memory_space<vmem>> -> memref<128x128xf32, #tpu.memory_space<vmem>>
      %dma_start3A_1037 = arith.constant 0 : i32
      %dma_start3A_1038 = tpu.memref_slice %arg4[%mul3A_1030, %dma_start3A_1037] : memref<204800x128xf32, #tpu.memory_space<hbm>> -> memref<128x128xf32, #tpu.memory_space<hbm>>
      %dma_start3A_1039 = tpu.memref_slice %arg8[%dma_start3A_1032] : memref<5x!tpu.dma_semaphore, #tpu.memory_space<semaphore_mem>> -> memref<1x!tpu.dma_semaphore, #tpu.memory_space<semaphore_mem>>
      %dma_start3A_1040 = tpu.memref_squeeze %dma_start3A_1039 : memref<1x!tpu.dma_semaphore, #tpu.memory_space<semaphore_mem>> -> memref<!tpu.dma_semaphore, #tpu.memory_space<semaphore_mem>>
      %dma_start3A_1041 = arith.constant 0 : i32
      %dma_start3A_1042 = tpu.memref_slice %arg4[%mul3A_1030, %dma_start3A_1041] : memref<204800x128xf32, #tpu.memory_space<hbm>> -> memref<128x128xf32, #tpu.memory_space<hbm>>
      %dma_start3A_1043 = arith.constant 0 : i32
      %dma_start3A_1044 = arith.constant 0 : i32
      %dma_start3A_1045 = tpu.memref_slice %arg6[%dma_start3A_1031, %dma_start3A_1043, %dma_start3A_1044] : memref<5x128x128xf32, #tpu.memory_space<vmem>> -> memref<1x128x128xf32, #tpu.memory_space<vmem>>
      %dma_start3A_1046 = tpu.memref_squeeze %dma_start3A_1045 : memref<1x128x128xf32, #tpu.memory_space<vmem>> -> memref<128x128xf32, #tpu.memory_space<vmem>>
      tpu.enqueue_dma source(%dma_start3A_1046 : memref<128x128xf32, #tpu.memory_space<vmem>>) target(%dma_start3A_1042 : memref<128x128xf32, #tpu.memory_space<hbm>>) target_semaphore(%dma_start3A_1040 : memref<!tpu.dma_semaphore, #tpu.memory_space<semaphore_mem>>)
      %add3A_1047 = arith.constant 2 : i32
      %add3A_1048 = arith.addi %add3A_1013, %add3A_1047 : i32
      %sub3A_1049 = arith.constant 5 : i32
      %sub3A_1050 = arith.subi %add3A_1048, %sub3A_1049 : i32
      %add3A_1051 = arith.addi %mul3A_2, %sub3A_1050 : i32
      %mul3A_1052 = arith.constant 128 : i32
      %mul3A_1053 = arith.muli %add3A_1051, %mul3A_1052 : i32
      %dma_wait3A_1054 = arith.constant 1 : i32
      %dma_wait3A_1055 = arith.constant 1 : i32
      %dma_wait3A_1056 = arith.constant 0 : i32
      %dma_wait3A_1057 = arith.constant 0 : i32
      %dma_wait3A_1058 = tpu.memref_slice %arg6[%dma_wait3A_1054, %dma_wait3A_1056, %dma_wait3A_1057] : memref<5x128x128xf32, #tpu.memory_space<vmem>> -> memref<1x128x128xf32, #tpu.memory_space<vmem>>
      %dma_wait3A_1059 = tpu.memref_squeeze %dma_wait3A_1058 : memref<1x128x128xf32, #tpu.memory_space<vmem>> -> memref<128x128xf32, #tpu.memory_space<vmem>>
      %dma_wait3A_1060 = arith.constant 0 : i32
      %dma_wait3A_1061 = tpu.memref_slice %arg4[%mul3A_1053, %dma_wait3A_1060] : memref<204800x128xf32, #tpu.memory_space<hbm>> -> memref<128x128xf32, #tpu.memory_space<hbm>>
      %dma_wait3A_1062 = tpu.memref_slice %arg8[%dma_wait3A_1055] : memref<5x!tpu.dma_semaphore, #tpu.memory_space<semaphore_mem>> -> memref<1x!tpu.dma_semaphore, #tpu.memory_space<semaphore_mem>>
      %dma_wait3A_1063 = tpu.memref_squeeze %dma_wait3A_1062 : memref<1x!tpu.dma_semaphore, #tpu.memory_space<semaphore_mem>> -> memref<!tpu.dma_semaphore, #tpu.memory_space<semaphore_mem>>
      %dma_wait3A_1064 = arith.constant 0 : i32
      %dma_wait3A_1065 = tpu.memref_slice %arg4[%mul3A_1053, %dma_wait3A_1064] : memref<204800x128xf32, #tpu.memory_space<hbm>> -> memref<128x128xf32, #tpu.memory_space<hbm>>
      %dma_wait3A_1066 = arith.constant 0 : i32
      %dma_wait3A_1067 = arith.constant 0 : i32
      %dma_wait3A_1068 = tpu.memref_slice %arg6[%dma_wait3A_1054, %dma_wait3A_1066, %dma_wait3A_1067] : memref<5x128x128xf32, #tpu.memory_space<vmem>> -> memref<1x128x128xf32, #tpu.memory_space<vmem>>
      %dma_wait3A_1069 = tpu.memref_squeeze %dma_wait3A_1068 : memref<1x128x128xf32, #tpu.memory_space<vmem>> -> memref<128x128xf32, #tpu.memory_space<vmem>>
      tpu.wait_dma2 semaphore(%dma_wait3A_1063 : memref<!tpu.dma_semaphore, #tpu.memory_space<semaphore_mem>>) src(%dma_wait3A_1069 : memref<128x128xf32, #tpu.memory_space<vmem>>) dst(%dma_wait3A_1065 : memref<128x128xf32, #tpu.memory_space<hbm>>)
      %add3A_1070 = arith.constant 2 : i32
      %add3A_1071 = arith.addi %add3A_1013, %add3A_1070 : i32
      %dma_start3A_1072 = arith.constant 1 : i32
      %dma_start3A_1073 = arith.constant 1 : i32
      %dma_start3A_1074 = arith.constant 0 : i32
      %dma_start3A_1075 = arith.constant 0 : i32
      %dma_start3A_1076 = tpu.memref_slice %arg6[%dma_start3A_1072, %dma_start3A_1074, %dma_start3A_1075] : memref<5x128x128xf32, #tpu.memory_space<vmem>> -> memref<1x128x128xf32, #tpu.memory_space<vmem>>
      %dma_start3A_1077 = tpu.memref_squeeze %dma_start3A_1076 : memref<1x128x128xf32, #tpu.memory_space<vmem>> -> memref<128x128xf32, #tpu.memory_space<vmem>>
      %dma_start3A_1078 = arith.constant 0 : i32
      %dma_start3A_1079 = tpu.memref_slice %arg5[%add3A_1071, %dma_start3A_1078] : memref<50x128xi32, #tpu.memory_space<vmem>> -> memref<1x128xi32, #tpu.memory_space<vmem>>
      %dma_start3A_1080 = tpu.memref_squeeze %dma_start3A_1079 : memref<1x128xi32, #tpu.memory_space<vmem>> -> memref<128xi32, #tpu.memory_space<vmem>>
      %dma_start3A_1081 = arith.constant 0 : i32
      %dma_start3A_1082 = arith.constant 0 : i32
      %dma_start3A_1083 = tpu.memref_slice %arg2[%dma_start3A_1081, %dma_start3A_1082] : memref<100000x128xf32, #tpu.memory_space<hbm>> -> memref<100000x128xf32, #tpu.memory_space<hbm>>
      %dma_start3A_1084 = tpu.memref_slice %arg7[%dma_start3A_1073] : memref<5x!tpu.dma_semaphore, #tpu.memory_space<semaphore_mem>> -> memref<1x!tpu.dma_semaphore, #tpu.memory_space<semaphore_mem>>
      %dma_start3A_1085 = tpu.memref_squeeze %dma_start3A_1084 : memref<1x!tpu.dma_semaphore, #tpu.memory_space<semaphore_mem>> -> memref<!tpu.dma_semaphore, #tpu.memory_space<semaphore_mem>>
      tpu.enqueue_indirect_dma source(%dma_start3A_1083 : memref<100000x128xf32, #tpu.memory_space<hbm>>) target(%dma_start3A_1077 : memref<128x128xf32, #tpu.memory_space<vmem>>) offsets(%dma_start3A_1080 : memref<128xi32, #tpu.memory_space<vmem>>) semaphore(%dma_start3A_1085 : memref<!tpu.dma_semaphore, #tpu.memory_space<semaphore_mem>>)
    }
    %scan3A_325 = arith.constant 8 : i32
    %dma_wait3A_326 = arith.constant 45 : i32
    %dma_wait3A_327 = arith.constant 0 : i32
    %dma_wait3A_328 = arith.constant 0 : i32
    %dma_wait3A_329 = arith.constant 0 : i32
    %dma_wait3A_330 = arith.constant 0 : i32
    %dma_wait3A_331 = tpu.memref_slice %arg6[%dma_wait3A_327, %dma_wait3A_329, %dma_wait3A_330] : memref<5x128x128xf32, #tpu.memory_space<vmem>> -> memref<1x128x128xf32, #tpu.memory_space<vmem>>
    %dma_wait3A_332 = tpu.memref_squeeze %dma_wait3A_331 : memref<1x128x128xf32, #tpu.memory_space<vmem>> -> memref<128x128xf32, #tpu.memory_space<vmem>>
    %dma_wait3A_333 = arith.constant 0 : i32
    %dma_wait3A_334 = tpu.memref_slice %arg5[%dma_wait3A_326, %dma_wait3A_333] : memref<50x128xi32, #tpu.memory_space<vmem>> -> memref<1x128xi32, #tpu.memory_space<vmem>>
    %dma_wait3A_335 = tpu.memref_squeeze %dma_wait3A_334 : memref<1x128xi32, #tpu.memory_space<vmem>> -> memref<128xi32, #tpu.memory_space<vmem>>
    %dma_wait3A_336 = arith.constant 0 : i32
    %dma_wait3A_337 = arith.constant 0 : i32
    %dma_wait3A_338 = tpu.memref_slice %arg2[%dma_wait3A_336, %dma_wait3A_337] : memref<100000x128xf32, #tpu.memory_space<hbm>> -> memref<100000x128xf32, #tpu.memory_space<hbm>>
    %dma_wait3A_339 = tpu.memref_slice %arg7[%dma_wait3A_328] : memref<5x!tpu.dma_semaphore, #tpu.memory_space<semaphore_mem>> -> memref<1x!tpu.dma_semaphore, #tpu.memory_space<semaphore_mem>>
    %dma_wait3A_340 = tpu.memref_squeeze %dma_wait3A_339 : memref<1x!tpu.dma_semaphore, #tpu.memory_space<semaphore_mem>> -> memref<!tpu.dma_semaphore, #tpu.memory_space<semaphore_mem>>
    tpu.wait_indirect_dma semaphore(%dma_wait3A_340 : memref<!tpu.dma_semaphore, #tpu.memory_space<semaphore_mem>>) src(%dma_wait3A_338 : memref<100000x128xf32, #tpu.memory_space<hbm>>) dst(%dma_wait3A_332 : memref<128x128xf32, #tpu.memory_space<vmem>>)
    %add3A_341 = arith.constant 45 : i32
    %add3A_342 = arith.addi %mul3A_2, %add3A_341 : i32
    %mul3A_343 = arith.constant 128 : i32
    %mul3A_344 = arith.muli %add3A_342, %mul3A_343 : i32
    %dma_start3A_345 = arith.constant 0 : i32
    %dma_start3A_346 = arith.constant 0 : i32
    %dma_start3A_347 = arith.constant 0 : i32
    %dma_start3A_348 = arith.constant 0 : i32
    %dma_start3A_349 = tpu.memref_slice %arg6[%dma_start3A_345, %dma_start3A_347, %dma_start3A_348] : memref<5x128x128xf32, #tpu.memory_space<vmem>> -> memref<1x128x128xf32, #tpu.memory_space<vmem>>
    %dma_start3A_350 = tpu.memref_squeeze %dma_start3A_349 : memref<1x128x128xf32, #tpu.memory_space<vmem>> -> memref<128x128xf32, #tpu.memory_space<vmem>>
    %dma_start3A_351 = arith.constant 0 : i32
    %dma_start3A_352 = tpu.memref_slice %arg4[%mul3A_344, %dma_start3A_351] : memref<204800x128xf32, #tpu.memory_space<hbm>> -> memref<128x128xf32, #tpu.memory_space<hbm>>
    %dma_start3A_353 = tpu.memref_slice %arg8[%dma_start3A_346] : memref<5x!tpu.dma_semaphore, #tpu.memory_space<semaphore_mem>> -> memref<1x!tpu.dma_semaphore, #tpu.memory_space<semaphore_mem>>
    %dma_start3A_354 = tpu.memref_squeeze %dma_start3A_353 : memref<1x!tpu.dma_semaphore, #tpu.memory_space<semaphore_mem>> -> memref<!tpu.dma_semaphore, #tpu.memory_space<semaphore_mem>>
    %dma_start3A_355 = arith.constant 0 : i32
    %dma_start3A_356 = tpu.memref_slice %arg4[%mul3A_344, %dma_start3A_355] : memref<204800x128xf32, #tpu.memory_space<hbm>> -> memref<128x128xf32, #tpu.memory_space<hbm>>
    %dma_start3A_357 = arith.constant 0 : i32
    %dma_start3A_358 = arith.constant 0 : i32
    %dma_start3A_359 = tpu.memref_slice %arg6[%dma_start3A_345, %dma_start3A_357, %dma_start3A_358] : memref<5x128x128xf32, #tpu.memory_space<vmem>> -> memref<1x128x128xf32, #tpu.memory_space<vmem>>
    %dma_start3A_360 = tpu.memref_squeeze %dma_start3A_359 : memref<1x128x128xf32, #tpu.memory_space<vmem>> -> memref<128x128xf32, #tpu.memory_space<vmem>>
    tpu.enqueue_dma source(%dma_start3A_360 : memref<128x128xf32, #tpu.memory_space<vmem>>) target(%dma_start3A_356 : memref<128x128xf32, #tpu.memory_space<hbm>>) target_semaphore(%dma_start3A_354 : memref<!tpu.dma_semaphore, #tpu.memory_space<semaphore_mem>>)
    %add3A_361 = arith.constant 42 : i32
    %add3A_362 = arith.addi %mul3A_2, %add3A_361 : i32
    %mul3A_363 = arith.constant 128 : i32
    %mul3A_364 = arith.muli %add3A_362, %mul3A_363 : i32
    %dma_wait3A_365 = arith.constant 2 : i32
    %dma_wait3A_366 = arith.constant 2 : i32
    %dma_wait3A_367 = arith.constant 0 : i32
    %dma_wait3A_368 = arith.constant 0 : i32
    %dma_wait3A_369 = tpu.memref_slice %arg6[%dma_wait3A_365, %dma_wait3A_367, %dma_wait3A_368] : memref<5x128x128xf32, #tpu.memory_space<vmem>> -> memref<1x128x128xf32, #tpu.memory_space<vmem>>
    %dma_wait3A_370 = tpu.memref_squeeze %dma_wait3A_369 : memref<1x128x128xf32, #tpu.memory_space<vmem>> -> memref<128x128xf32, #tpu.memory_space<vmem>>
    %dma_wait3A_371 = arith.constant 0 : i32
    %dma_wait3A_372 = tpu.memref_slice %arg4[%mul3A_364, %dma_wait3A_371] : memref<204800x128xf32, #tpu.memory_space<hbm>> -> memref<128x128xf32, #tpu.memory_space<hbm>>
    %dma_wait3A_373 = tpu.memref_slice %arg8[%dma_wait3A_366] : memref<5x!tpu.dma_semaphore, #tpu.memory_space<semaphore_mem>> -> memref<1x!tpu.dma_semaphore, #tpu.memory_space<semaphore_mem>>
    %dma_wait3A_374 = tpu.memref_squeeze %dma_wait3A_373 : memref<1x!tpu.dma_semaphore, #tpu.memory_space<semaphore_mem>> -> memref<!tpu.dma_semaphore, #tpu.memory_space<semaphore_mem>>
    %dma_wait3A_375 = arith.constant 0 : i32
    %dma_wait3A_376 = tpu.memref_slice %arg4[%mul3A_364, %dma_wait3A_375] : memref<204800x128xf32, #tpu.memory_space<hbm>> -> memref<128x128xf32, #tpu.memory_space<hbm>>
    %dma_wait3A_377 = arith.constant 0 : i32
    %dma_wait3A_378 = arith.constant 0 : i32
    %dma_wait3A_379 = tpu.memref_slice %arg6[%dma_wait3A_365, %dma_wait3A_377, %dma_wait3A_378] : memref<5x128x128xf32, #tpu.memory_space<vmem>> -> memref<1x128x128xf32, #tpu.memory_space<vmem>>
    %dma_wait3A_380 = tpu.memref_squeeze %dma_wait3A_379 : memref<1x128x128xf32, #tpu.memory_space<vmem>> -> memref<128x128xf32, #tpu.memory_space<vmem>>
    tpu.wait_dma2 semaphore(%dma_wait3A_374 : memref<!tpu.dma_semaphore, #tpu.memory_space<semaphore_mem>>) src(%dma_wait3A_380 : memref<128x128xf32, #tpu.memory_space<vmem>>) dst(%dma_wait3A_376 : memref<128x128xf32, #tpu.memory_space<hbm>>)
    %dma_start3A_381 = arith.constant 47 : i32
    %dma_start3A_382 = arith.constant 2 : i32
    %dma_start3A_383 = arith.constant 2 : i32
    %dma_start3A_384 = arith.constant 0 : i32
    %dma_start3A_385 = arith.constant 0 : i32
    %dma_start3A_386 = tpu.memref_slice %arg6[%dma_start3A_382, %dma_start3A_384, %dma_start3A_385] : memref<5x128x128xf32, #tpu.memory_space<vmem>> -> memref<1x128x128xf32, #tpu.memory_space<vmem>>
    %dma_start3A_387 = tpu.memref_squeeze %dma_start3A_386 : memref<1x128x128xf32, #tpu.memory_space<vmem>> -> memref<128x128xf32, #tpu.memory_space<vmem>>
    %dma_start3A_388 = arith.constant 0 : i32
    %dma_start3A_389 = tpu.memref_slice %arg5[%dma_start3A_381, %dma_start3A_388] : memref<50x128xi32, #tpu.memory_space<vmem>> -> memref<1x128xi32, #tpu.memory_space<vmem>>
    %dma_start3A_390 = tpu.memref_squeeze %dma_start3A_389 : memref<1x128xi32, #tpu.memory_space<vmem>> -> memref<128xi32, #tpu.memory_space<vmem>>
    %dma_start3A_391 = arith.constant 0 : i32
    %dma_start3A_392 = arith.constant 0 : i32
    %dma_start3A_393 = tpu.memref_slice %arg2[%dma_start3A_391, %dma_start3A_392] : memref<100000x128xf32, #tpu.memory_space<hbm>> -> memref<100000x128xf32, #tpu.memory_space<hbm>>
    %dma_start3A_394 = tpu.memref_slice %arg7[%dma_start3A_383] : memref<5x!tpu.dma_semaphore, #tpu.memory_space<semaphore_mem>> -> memref<1x!tpu.dma_semaphore, #tpu.memory_space<semaphore_mem>>
    %dma_start3A_395 = tpu.memref_squeeze %dma_start3A_394 : memref<1x!tpu.dma_semaphore, #tpu.memory_space<semaphore_mem>> -> memref<!tpu.dma_semaphore, #tpu.memory_space<semaphore_mem>>
    tpu.enqueue_indirect_dma source(%dma_start3A_393 : memref<100000x128xf32, #tpu.memory_space<hbm>>) target(%dma_start3A_387 : memref<128x128xf32, #tpu.memory_space<vmem>>) offsets(%dma_start3A_390 : memref<128xi32, #tpu.memory_space<vmem>>) semaphore(%dma_start3A_395 : memref<!tpu.dma_semaphore, #tpu.memory_space<semaphore_mem>>)
    %dma_wait3A_396 = arith.constant 46 : i32
    %dma_wait3A_397 = arith.constant 1 : i32
    %dma_wait3A_398 = arith.constant 1 : i32
    %dma_wait3A_399 = arith.constant 0 : i32
    %dma_wait3A_400 = arith.constant 0 : i32
    %dma_wait3A_401 = tpu.memref_slice %arg6[%dma_wait3A_397, %dma_wait3A_399, %dma_wait3A_400] : memref<5x128x128xf32, #tpu.memory_space<vmem>> -> memref<1x128x128xf32, #tpu.memory_space<vmem>>
    %dma_wait3A_402 = tpu.memref_squeeze %dma_wait3A_401 : memref<1x128x128xf32, #tpu.memory_space<vmem>> -> memref<128x128xf32, #tpu.memory_space<vmem>>
    %dma_wait3A_403 = arith.constant 0 : i32
    %dma_wait3A_404 = tpu.memref_slice %arg5[%dma_wait3A_396, %dma_wait3A_403] : memref<50x128xi32, #tpu.memory_space<vmem>> -> memref<1x128xi32, #tpu.memory_space<vmem>>
    %dma_wait3A_405 = tpu.memref_squeeze %dma_wait3A_404 : memref<1x128xi32, #tpu.memory_space<vmem>> -> memref<128xi32, #tpu.memory_space<vmem>>
    %dma_wait3A_406 = arith.constant 0 : i32
    %dma_wait3A_407 = arith.constant 0 : i32
    %dma_wait3A_408 = tpu.memref_slice %arg2[%dma_wait3A_406, %dma_wait3A_407] : memref<100000x128xf32, #tpu.memory_space<hbm>> -> memref<100000x128xf32, #tpu.memory_space<hbm>>
    %dma_wait3A_409 = tpu.memref_slice %arg7[%dma_wait3A_398] : memref<5x!tpu.dma_semaphore, #tpu.memory_space<semaphore_mem>> -> memref<1x!tpu.dma_semaphore, #tpu.memory_space<semaphore_mem>>
    %dma_wait3A_410 = tpu.memref_squeeze %dma_wait3A_409 : memref<1x!tpu.dma_semaphore, #tpu.memory_space<semaphore_mem>> -> memref<!tpu.dma_semaphore, #tpu.memory_space<semaphore_mem>>
    tpu.wait_indirect_dma semaphore(%dma_wait3A_410 : memref<!tpu.dma_semaphore, #tpu.memory_space<semaphore_mem>>) src(%dma_wait3A_408 : memref<100000x128xf32, #tpu.memory_space<hbm>>) dst(%dma_wait3A_402 : memref<128x128xf32, #tpu.memory_space<vmem>>)
    %add3A_411 = arith.constant 46 : i32
    %add3A_412 = arith.addi %mul3A_2, %add3A_411 : i32
    %mul3A_413 = arith.constant 128 : i32
    %mul3A_414 = arith.muli %add3A_412, %mul3A_413 : i32
    %dma_start3A_415 = arith.constant 1 : i32
    %dma_start3A_416 = arith.constant 1 : i32
    %dma_start3A_417 = arith.constant 0 : i32
    %dma_start3A_418 = arith.constant 0 : i32
    %dma_start3A_419 = tpu.memref_slice %arg6[%dma_start3A_415, %dma_start3A_417, %dma_start3A_418] : memref<5x128x128xf32, #tpu.memory_space<vmem>> -> memref<1x128x128xf32, #tpu.memory_space<vmem>>
    %dma_start3A_420 = tpu.memref_squeeze %dma_start3A_419 : memref<1x128x128xf32, #tpu.memory_space<vmem>> -> memref<128x128xf32, #tpu.memory_space<vmem>>
    %dma_start3A_421 = arith.constant 0 : i32
    %dma_start3A_422 = tpu.memref_slice %arg4[%mul3A_414, %dma_start3A_421] : memref<204800x128xf32, #tpu.memory_space<hbm>> -> memref<128x128xf32, #tpu.memory_space<hbm>>
    %dma_start3A_423 = tpu.memref_slice %arg8[%dma_start3A_416] : memref<5x!tpu.dma_semaphore, #tpu.memory_space<semaphore_mem>> -> memref<1x!tpu.dma_semaphore, #tpu.memory_space<semaphore_mem>>
    %dma_start3A_424 = tpu.memref_squeeze %dma_start3A_423 : memref<1x!tpu.dma_semaphore, #tpu.memory_space<semaphore_mem>> -> memref<!tpu.dma_semaphore, #tpu.memory_space<semaphore_mem>>
    %dma_start3A_425 = arith.constant 0 : i32
    %dma_start3A_426 = tpu.memref_slice %arg4[%mul3A_414, %dma_start3A_425] : memref<204800x128xf32, #tpu.memory_space<hbm>> -> memref<128x128xf32, #tpu.memory_space<hbm>>
    %dma_start3A_427 = arith.constant 0 : i32
    %dma_start3A_428 = arith.constant 0 : i32
    %dma_start3A_429 = tpu.memref_slice %arg6[%dma_start3A_415, %dma_start3A_427, %dma_start3A_428] : memref<5x128x128xf32, #tpu.memory_space<vmem>> -> memref<1x128x128xf32, #tpu.memory_space<vmem>>
    %dma_start3A_430 = tpu.memref_squeeze %dma_start3A_429 : memref<1x128x128xf32, #tpu.memory_space<vmem>> -> memref<128x128xf32, #tpu.memory_space<vmem>>
    tpu.enqueue_dma source(%dma_start3A_430 : memref<128x128xf32, #tpu.memory_space<vmem>>) target(%dma_start3A_426 : memref<128x128xf32, #tpu.memory_space<hbm>>) target_semaphore(%dma_start3A_424 : memref<!tpu.dma_semaphore, #tpu.memory_space<semaphore_mem>>)
    %add3A_431 = arith.constant 43 : i32
    %add3A_432 = arith.addi %mul3A_2, %add3A_431 : i32
    %mul3A_433 = arith.constant 128 : i32
    %mul3A_434 = arith.muli %add3A_432, %mul3A_433 : i32
    %dma_wait3A_435 = arith.constant 3 : i32
    %dma_wait3A_436 = arith.constant 3 : i32
    %dma_wait3A_437 = arith.constant 0 : i32
    %dma_wait3A_438 = arith.constant 0 : i32
    %dma_wait3A_439 = tpu.memref_slice %arg6[%dma_wait3A_435, %dma_wait3A_437, %dma_wait3A_438] : memref<5x128x128xf32, #tpu.memory_space<vmem>> -> memref<1x128x128xf32, #tpu.memory_space<vmem>>
    %dma_wait3A_440 = tpu.memref_squeeze %dma_wait3A_439 : memref<1x128x128xf32, #tpu.memory_space<vmem>> -> memref<128x128xf32, #tpu.memory_space<vmem>>
    %dma_wait3A_441 = arith.constant 0 : i32
    %dma_wait3A_442 = tpu.memref_slice %arg4[%mul3A_434, %dma_wait3A_441] : memref<204800x128xf32, #tpu.memory_space<hbm>> -> memref<128x128xf32, #tpu.memory_space<hbm>>
    %dma_wait3A_443 = tpu.memref_slice %arg8[%dma_wait3A_436] : memref<5x!tpu.dma_semaphore, #tpu.memory_space<semaphore_mem>> -> memref<1x!tpu.dma_semaphore, #tpu.memory_space<semaphore_mem>>
    %dma_wait3A_444 = tpu.memref_squeeze %dma_wait3A_443 : memref<1x!tpu.dma_semaphore, #tpu.memory_space<semaphore_mem>> -> memref<!tpu.dma_semaphore, #tpu.memory_space<semaphore_mem>>
    %dma_wait3A_445 = arith.constant 0 : i32
    %dma_wait3A_446 = tpu.memref_slice %arg4[%mul3A_434, %dma_wait3A_445] : memref<204800x128xf32, #tpu.memory_space<hbm>> -> memref<128x128xf32, #tpu.memory_space<hbm>>
    %dma_wait3A_447 = arith.constant 0 : i32
    %dma_wait3A_448 = arith.constant 0 : i32
    %dma_wait3A_449 = tpu.memref_slice %arg6[%dma_wait3A_435, %dma_wait3A_447, %dma_wait3A_448] : memref<5x128x128xf32, #tpu.memory_space<vmem>> -> memref<1x128x128xf32, #tpu.memory_space<vmem>>
    %dma_wait3A_450 = tpu.memref_squeeze %dma_wait3A_449 : memref<1x128x128xf32, #tpu.memory_space<vmem>> -> memref<128x128xf32, #tpu.memory_space<vmem>>
    tpu.wait_dma2 semaphore(%dma_wait3A_444 : memref<!tpu.dma_semaphore, #tpu.memory_space<semaphore_mem>>) src(%dma_wait3A_450 : memref<128x128xf32, #tpu.memory_space<vmem>>) dst(%dma_wait3A_446 : memref<128x128xf32, #tpu.memory_space<hbm>>)
    %dma_start3A_451 = arith.constant 48 : i32
    %dma_start3A_452 = arith.constant 3 : i32
    %dma_start3A_453 = arith.constant 3 : i32
    %dma_start3A_454 = arith.constant 0 : i32
    %dma_start3A_455 = arith.constant 0 : i32
    %dma_start3A_456 = tpu.memref_slice %arg6[%dma_start3A_452, %dma_start3A_454, %dma_start3A_455] : memref<5x128x128xf32, #tpu.memory_space<vmem>> -> memref<1x128x128xf32, #tpu.memory_space<vmem>>
    %dma_start3A_457 = tpu.memref_squeeze %dma_start3A_456 : memref<1x128x128xf32, #tpu.memory_space<vmem>> -> memref<128x128xf32, #tpu.memory_space<vmem>>
    %dma_start3A_458 = arith.constant 0 : i32
    %dma_start3A_459 = tpu.memref_slice %arg5[%dma_start3A_451, %dma_start3A_458] : memref<50x128xi32, #tpu.memory_space<vmem>> -> memref<1x128xi32, #tpu.memory_space<vmem>>
    %dma_start3A_460 = tpu.memref_squeeze %dma_start3A_459 : memref<1x128xi32, #tpu.memory_space<vmem>> -> memref<128xi32, #tpu.memory_space<vmem>>
    %dma_start3A_461 = arith.constant 0 : i32
    %dma_start3A_462 = arith.constant 0 : i32
    %dma_start3A_463 = tpu.memref_slice %arg2[%dma_start3A_461, %dma_start3A_462] : memref<100000x128xf32, #tpu.memory_space<hbm>> -> memref<100000x128xf32, #tpu.memory_space<hbm>>
    %dma_start3A_464 = tpu.memref_slice %arg7[%dma_start3A_453] : memref<5x!tpu.dma_semaphore, #tpu.memory_space<semaphore_mem>> -> memref<1x!tpu.dma_semaphore, #tpu.memory_space<semaphore_mem>>
    %dma_start3A_465 = tpu.memref_squeeze %dma_start3A_464 : memref<1x!tpu.dma_semaphore, #tpu.memory_space<semaphore_mem>> -> memref<!tpu.dma_semaphore, #tpu.memory_space<semaphore_mem>>
    tpu.enqueue_indirect_dma source(%dma_start3A_463 : memref<100000x128xf32, #tpu.memory_space<hbm>>) target(%dma_start3A_457 : memref<128x128xf32, #tpu.memory_space<vmem>>) offsets(%dma_start3A_460 : memref<128xi32, #tpu.memory_space<vmem>>) semaphore(%dma_start3A_465 : memref<!tpu.dma_semaphore, #tpu.memory_space<semaphore_mem>>)
    %dma_wait3A_466 = arith.constant 47 : i32
    %dma_wait3A_467 = arith.constant 2 : i32
    %dma_wait3A_468 = arith.constant 2 : i32
    %dma_wait3A_469 = arith.constant 0 : i32
    %dma_wait3A_470 = arith.constant 0 : i32
    %dma_wait3A_471 = tpu.memref_slice %arg6[%dma_wait3A_467, %dma_wait3A_469, %dma_wait3A_470] : memref<5x128x128xf32, #tpu.memory_space<vmem>> -> memref<1x128x128xf32, #tpu.memory_space<vmem>>
    %dma_wait3A_472 = tpu.memref_squeeze %dma_wait3A_471 : memref<1x128x128xf32, #tpu.memory_space<vmem>> -> memref<128x128xf32, #tpu.memory_space<vmem>>
    %dma_wait3A_473 = arith.constant 0 : i32
    %dma_wait3A_474 = tpu.memref_slice %arg5[%dma_wait3A_466, %dma_wait3A_473] : memref<50x128xi32, #tpu.memory_space<vmem>> -> memref<1x128xi32, #tpu.memory_space<vmem>>
    %dma_wait3A_475 = tpu.memref_squeeze %dma_wait3A_474 : memref<1x128xi32, #tpu.memory_space<vmem>> -> memref<128xi32, #tpu.memory_space<vmem>>
    %dma_wait3A_476 = arith.constant 0 : i32
    %dma_wait3A_477 = arith.constant 0 : i32
    %dma_wait3A_478 = tpu.memref_slice %arg2[%dma_wait3A_476, %dma_wait3A_477] : memref<100000x128xf32, #tpu.memory_space<hbm>> -> memref<100000x128xf32, #tpu.memory_space<hbm>>
    %dma_wait3A_479 = tpu.memref_slice %arg7[%dma_wait3A_468] : memref<5x!tpu.dma_semaphore, #tpu.memory_space<semaphore_mem>> -> memref<1x!tpu.dma_semaphore, #tpu.memory_space<semaphore_mem>>
    %dma_wait3A_480 = tpu.memref_squeeze %dma_wait3A_479 : memref<1x!tpu.dma_semaphore, #tpu.memory_space<semaphore_mem>> -> memref<!tpu.dma_semaphore, #tpu.memory_space<semaphore_mem>>
    tpu.wait_indirect_dma semaphore(%dma_wait3A_480 : memref<!tpu.dma_semaphore, #tpu.memory_space<semaphore_mem>>) src(%dma_wait3A_478 : memref<100000x128xf32, #tpu.memory_space<hbm>>) dst(%dma_wait3A_472 : memref<128x128xf32, #tpu.memory_space<vmem>>)
    %add3A_481 = arith.constant 47 : i32
    %add3A_482 = arith.addi %mul3A_2, %add3A_481 : i32
    %mul3A_483 = arith.constant 128 : i32
    %mul3A_484 = arith.muli %add3A_482, %mul3A_483 : i32
    %dma_start3A_485 = arith.constant 2 : i32
    %dma_start3A_486 = arith.constant 2 : i32
    %dma_start3A_487 = arith.constant 0 : i32
    %dma_start3A_488 = arith.constant 0 : i32
    %dma_start3A_489 = tpu.memref_slice %arg6[%dma_start3A_485, %dma_start3A_487, %dma_start3A_488] : memref<5x128x128xf32, #tpu.memory_space<vmem>> -> memref<1x128x128xf32, #tpu.memory_space<vmem>>
    %dma_start3A_490 = tpu.memref_squeeze %dma_start3A_489 : memref<1x128x128xf32, #tpu.memory_space<vmem>> -> memref<128x128xf32, #tpu.memory_space<vmem>>
    %dma_start3A_491 = arith.constant 0 : i32
    %dma_start3A_492 = tpu.memref_slice %arg4[%mul3A_484, %dma_start3A_491] : memref<204800x128xf32, #tpu.memory_space<hbm>> -> memref<128x128xf32, #tpu.memory_space<hbm>>
    %dma_start3A_493 = tpu.memref_slice %arg8[%dma_start3A_486] : memref<5x!tpu.dma_semaphore, #tpu.memory_space<semaphore_mem>> -> memref<1x!tpu.dma_semaphore, #tpu.memory_space<semaphore_mem>>
    %dma_start3A_494 = tpu.memref_squeeze %dma_start3A_493 : memref<1x!tpu.dma_semaphore, #tpu.memory_space<semaphore_mem>> -> memref<!tpu.dma_semaphore, #tpu.memory_space<semaphore_mem>>
    %dma_start3A_495 = arith.constant 0 : i32
    %dma_start3A_496 = tpu.memref_slice %arg4[%mul3A_484, %dma_start3A_495] : memref<204800x128xf32, #tpu.memory_space<hbm>> -> memref<128x128xf32, #tpu.memory_space<hbm>>
    %dma_start3A_497 = arith.constant 0 : i32
    %dma_start3A_498 = arith.constant 0 : i32
    %dma_start3A_499 = tpu.memref_slice %arg6[%dma_start3A_485, %dma_start3A_497, %dma_start3A_498] : memref<5x128x128xf32, #tpu.memory_space<vmem>> -> memref<1x128x128xf32, #tpu.memory_space<vmem>>
    %dma_start3A_500 = tpu.memref_squeeze %dma_start3A_499 : memref<1x128x128xf32, #tpu.memory_space<vmem>> -> memref<128x128xf32, #tpu.memory_space<vmem>>
    tpu.enqueue_dma source(%dma_start3A_500 : memref<128x128xf32, #tpu.memory_space<vmem>>) target(%dma_start3A_496 : memref<128x128xf32, #tpu.memory_space<hbm>>) target_semaphore(%dma_start3A_494 : memref<!tpu.dma_semaphore, #tpu.memory_space<semaphore_mem>>)
    %add3A_501 = arith.constant 44 : i32
    %add3A_502 = arith.addi %mul3A_2, %add3A_501 : i32
    %mul3A_503 = arith.constant 128 : i32
    %mul3A_504 = arith.muli %add3A_502, %mul3A_503 : i32
    %dma_wait3A_505 = arith.constant 4 : i32
    %dma_wait3A_506 = arith.constant 4 : i32
    %dma_wait3A_507 = arith.constant 0 : i32
    %dma_wait3A_508 = arith.constant 0 : i32
    %dma_wait3A_509 = tpu.memref_slice %arg6[%dma_wait3A_505, %dma_wait3A_507, %dma_wait3A_508] : memref<5x128x128xf32, #tpu.memory_space<vmem>> -> memref<1x128x128xf32, #tpu.memory_space<vmem>>
    %dma_wait3A_510 = tpu.memref_squeeze %dma_wait3A_509 : memref<1x128x128xf32, #tpu.memory_space<vmem>> -> memref<128x128xf32, #tpu.memory_space<vmem>>
    %dma_wait3A_511 = arith.constant 0 : i32
    %dma_wait3A_512 = tpu.memref_slice %arg4[%mul3A_504, %dma_wait3A_511] : memref<204800x128xf32, #tpu.memory_space<hbm>> -> memref<128x128xf32, #tpu.memory_space<hbm>>
    %dma_wait3A_513 = tpu.memref_slice %arg8[%dma_wait3A_506] : memref<5x!tpu.dma_semaphore, #tpu.memory_space<semaphore_mem>> -> memref<1x!tpu.dma_semaphore, #tpu.memory_space<semaphore_mem>>
    %dma_wait3A_514 = tpu.memref_squeeze %dma_wait3A_513 : memref<1x!tpu.dma_semaphore, #tpu.memory_space<semaphore_mem>> -> memref<!tpu.dma_semaphore, #tpu.memory_space<semaphore_mem>>
    %dma_wait3A_515 = arith.constant 0 : i32
    %dma_wait3A_516 = tpu.memref_slice %arg4[%mul3A_504, %dma_wait3A_515] : memref<204800x128xf32, #tpu.memory_space<hbm>> -> memref<128x128xf32, #tpu.memory_space<hbm>>
    %dma_wait3A_517 = arith.constant 0 : i32
    %dma_wait3A_518 = arith.constant 0 : i32
    %dma_wait3A_519 = tpu.memref_slice %arg6[%dma_wait3A_505, %dma_wait3A_517, %dma_wait3A_518] : memref<5x128x128xf32, #tpu.memory_space<vmem>> -> memref<1x128x128xf32, #tpu.memory_space<vmem>>
    %dma_wait3A_520 = tpu.memref_squeeze %dma_wait3A_519 : memref<1x128x128xf32, #tpu.memory_space<vmem>> -> memref<128x128xf32, #tpu.memory_space<vmem>>
    tpu.wait_dma2 semaphore(%dma_wait3A_514 : memref<!tpu.dma_semaphore, #tpu.memory_space<semaphore_mem>>) src(%dma_wait3A_520 : memref<128x128xf32, #tpu.memory_space<vmem>>) dst(%dma_wait3A_516 : memref<128x128xf32, #tpu.memory_space<hbm>>)
    %dma_start3A_521 = arith.constant 49 : i32
    %dma_start3A_522 = arith.constant 4 : i32
    %dma_start3A_523 = arith.constant 4 : i32
    %dma_start3A_524 = arith.constant 0 : i32
    %dma_start3A_525 = arith.constant 0 : i32
    %dma_start3A_526 = tpu.memref_slice %arg6[%dma_start3A_522, %dma_start3A_524, %dma_start3A_525] : memref<5x128x128xf32, #tpu.memory_space<vmem>> -> memref<1x128x128xf32, #tpu.memory_space<vmem>>
    %dma_start3A_527 = tpu.memref_squeeze %dma_start3A_526 : memref<1x128x128xf32, #tpu.memory_space<vmem>> -> memref<128x128xf32, #tpu.memory_space<vmem>>
    %dma_start3A_528 = arith.constant 0 : i32
    %dma_start3A_529 = tpu.memref_slice %arg5[%dma_start3A_521, %dma_start3A_528] : memref<50x128xi32, #tpu.memory_space<vmem>> -> memref<1x128xi32, #tpu.memory_space<vmem>>
    %dma_start3A_530 = tpu.memref_squeeze %dma_start3A_529 : memref<1x128xi32, #tpu.memory_space<vmem>> -> memref<128xi32, #tpu.memory_space<vmem>>
    %dma_start3A_531 = arith.constant 0 : i32
    %dma_start3A_532 = arith.constant 0 : i32
    %dma_start3A_533 = tpu.memref_slice %arg2[%dma_start3A_531, %dma_start3A_532] : memref<100000x128xf32, #tpu.memory_space<hbm>> -> memref<100000x128xf32, #tpu.memory_space<hbm>>
    %dma_start3A_534 = tpu.memref_slice %arg7[%dma_start3A_523] : memref<5x!tpu.dma_semaphore, #tpu.memory_space<semaphore_mem>> -> memref<1x!tpu.dma_semaphore, #tpu.memory_space<semaphore_mem>>
    %dma_start3A_535 = tpu.memref_squeeze %dma_start3A_534 : memref<1x!tpu.dma_semaphore, #tpu.memory_space<semaphore_mem>> -> memref<!tpu.dma_semaphore, #tpu.memory_space<semaphore_mem>>
    tpu.enqueue_indirect_dma source(%dma_start3A_533 : memref<100000x128xf32, #tpu.memory_space<hbm>>) target(%dma_start3A_527 : memref<128x128xf32, #tpu.memory_space<vmem>>) offsets(%dma_start3A_530 : memref<128xi32, #tpu.memory_space<vmem>>) semaphore(%dma_start3A_535 : memref<!tpu.dma_semaphore, #tpu.memory_space<semaphore_mem>>)
    %dma_wait3A_536 = arith.constant 48 : i32
    %dma_wait3A_537 = arith.constant 3 : i32
    %dma_wait3A_538 = arith.constant 3 : i32
    %dma_wait3A_539 = arith.constant 0 : i32
    %dma_wait3A_540 = arith.constant 0 : i32
    %dma_wait3A_541 = tpu.memref_slice %arg6[%dma_wait3A_537, %dma_wait3A_539, %dma_wait3A_540] : memref<5x128x128xf32, #tpu.memory_space<vmem>> -> memref<1x128x128xf32, #tpu.memory_space<vmem>>
    %dma_wait3A_542 = tpu.memref_squeeze %dma_wait3A_541 : memref<1x128x128xf32, #tpu.memory_space<vmem>> -> memref<128x128xf32, #tpu.memory_space<vmem>>
    %dma_wait3A_543 = arith.constant 0 : i32
    %dma_wait3A_544 = tpu.memref_slice %arg5[%dma_wait3A_536, %dma_wait3A_543] : memref<50x128xi32, #tpu.memory_space<vmem>> -> memref<1x128xi32, #tpu.memory_space<vmem>>
    %dma_wait3A_545 = tpu.memref_squeeze %dma_wait3A_544 : memref<1x128xi32, #tpu.memory_space<vmem>> -> memref<128xi32, #tpu.memory_space<vmem>>
    %dma_wait3A_546 = arith.constant 0 : i32
    %dma_wait3A_547 = arith.constant 0 : i32
    %dma_wait3A_548 = tpu.memref_slice %arg2[%dma_wait3A_546, %dma_wait3A_547] : memref<100000x128xf32, #tpu.memory_space<hbm>> -> memref<100000x128xf32, #tpu.memory_space<hbm>>
    %dma_wait3A_549 = tpu.memref_slice %arg7[%dma_wait3A_538] : memref<5x!tpu.dma_semaphore, #tpu.memory_space<semaphore_mem>> -> memref<1x!tpu.dma_semaphore, #tpu.memory_space<semaphore_mem>>
    %dma_wait3A_550 = tpu.memref_squeeze %dma_wait3A_549 : memref<1x!tpu.dma_semaphore, #tpu.memory_space<semaphore_mem>> -> memref<!tpu.dma_semaphore, #tpu.memory_space<semaphore_mem>>
    tpu.wait_indirect_dma semaphore(%dma_wait3A_550 : memref<!tpu.dma_semaphore, #tpu.memory_space<semaphore_mem>>) src(%dma_wait3A_548 : memref<100000x128xf32, #tpu.memory_space<hbm>>) dst(%dma_wait3A_542 : memref<128x128xf32, #tpu.memory_space<vmem>>)
    %add3A_551 = arith.constant 48 : i32
    %add3A_552 = arith.addi %mul3A_2, %add3A_551 : i32
    %mul3A_553 = arith.constant 128 : i32
    %mul3A_554 = arith.muli %add3A_552, %mul3A_553 : i32
    %dma_start3A_555 = arith.constant 3 : i32
    %dma_start3A_556 = arith.constant 3 : i32
    %dma_start3A_557 = arith.constant 0 : i32
    %dma_start3A_558 = arith.constant 0 : i32
    %dma_start3A_559 = tpu.memref_slice %arg6[%dma_start3A_555, %dma_start3A_557, %dma_start3A_558] : memref<5x128x128xf32, #tpu.memory_space<vmem>> -> memref<1x128x128xf32, #tpu.memory_space<vmem>>
    %dma_start3A_560 = tpu.memref_squeeze %dma_start3A_559 : memref<1x128x128xf32, #tpu.memory_space<vmem>> -> memref<128x128xf32, #tpu.memory_space<vmem>>
    %dma_start3A_561 = arith.constant 0 : i32
    %dma_start3A_562 = tpu.memref_slice %arg4[%mul3A_554, %dma_start3A_561] : memref<204800x128xf32, #tpu.memory_space<hbm>> -> memref<128x128xf32, #tpu.memory_space<hbm>>
    %dma_start3A_563 = tpu.memref_slice %arg8[%dma_start3A_556] : memref<5x!tpu.dma_semaphore, #tpu.memory_space<semaphore_mem>> -> memref<1x!tpu.dma_semaphore, #tpu.memory_space<semaphore_mem>>
    %dma_start3A_564 = tpu.memref_squeeze %dma_start3A_563 : memref<1x!tpu.dma_semaphore, #tpu.memory_space<semaphore_mem>> -> memref<!tpu.dma_semaphore, #tpu.memory_space<semaphore_mem>>
    %dma_start3A_565 = arith.constant 0 : i32
    %dma_start3A_566 = tpu.memref_slice %arg4[%mul3A_554, %dma_start3A_565] : memref<204800x128xf32, #tpu.memory_space<hbm>> -> memref<128x128xf32, #tpu.memory_space<hbm>>
    %dma_start3A_567 = arith.constant 0 : i32
    %dma_start3A_568 = arith.constant 0 : i32
    %dma_start3A_569 = tpu.memref_slice %arg6[%dma_start3A_555, %dma_start3A_567, %dma_start3A_568] : memref<5x128x128xf32, #tpu.memory_space<vmem>> -> memref<1x128x128xf32, #tpu.memory_space<vmem>>
    %dma_start3A_570 = tpu.memref_squeeze %dma_start3A_569 : memref<1x128x128xf32, #tpu.memory_space<vmem>> -> memref<128x128xf32, #tpu.memory_space<vmem>>
    tpu.enqueue_dma source(%dma_start3A_570 : memref<128x128xf32, #tpu.memory_space<vmem>>) target(%dma_start3A_566 : memref<128x128xf32, #tpu.memory_space<hbm>>) target_semaphore(%dma_start3A_564 : memref<!tpu.dma_semaphore, #tpu.memory_space<semaphore_mem>>)
    %dma_wait3A_571 = arith.constant 49 : i32
    %dma_wait3A_572 = arith.constant 4 : i32
    %dma_wait3A_573 = arith.constant 4 : i32
    %dma_wait3A_574 = arith.constant 0 : i32
    %dma_wait3A_575 = arith.constant 0 : i32
    %dma_wait3A_576 = tpu.memref_slice %arg6[%dma_wait3A_572, %dma_wait3A_574, %dma_wait3A_575] : memref<5x128x128xf32, #tpu.memory_space<vmem>> -> memref<1x128x128xf32, #tpu.memory_space<vmem>>
    %dma_wait3A_577 = tpu.memref_squeeze %dma_wait3A_576 : memref<1x128x128xf32, #tpu.memory_space<vmem>> -> memref<128x128xf32, #tpu.memory_space<vmem>>
    %dma_wait3A_578 = arith.constant 0 : i32
    %dma_wait3A_579 = tpu.memref_slice %arg5[%dma_wait3A_571, %dma_wait3A_578] : memref<50x128xi32, #tpu.memory_space<vmem>> -> memref<1x128xi32, #tpu.memory_space<vmem>>
    %dma_wait3A_580 = tpu.memref_squeeze %dma_wait3A_579 : memref<1x128xi32, #tpu.memory_space<vmem>> -> memref<128xi32, #tpu.memory_space<vmem>>
    %dma_wait3A_581 = arith.constant 0 : i32
    %dma_wait3A_582 = arith.constant 0 : i32
    %dma_wait3A_583 = tpu.memref_slice %arg2[%dma_wait3A_581, %dma_wait3A_582] : memref<100000x128xf32, #tpu.memory_space<hbm>> -> memref<100000x128xf32, #tpu.memory_space<hbm>>
    %dma_wait3A_584 = tpu.memref_slice %arg7[%dma_wait3A_573] : memref<5x!tpu.dma_semaphore, #tpu.memory_space<semaphore_mem>> -> memref<1x!tpu.dma_semaphore, #tpu.memory_space<semaphore_mem>>
    %dma_wait3A_585 = tpu.memref_squeeze %dma_wait3A_584 : memref<1x!tpu.dma_semaphore, #tpu.memory_space<semaphore_mem>> -> memref<!tpu.dma_semaphore, #tpu.memory_space<semaphore_mem>>
    tpu.wait_indirect_dma semaphore(%dma_wait3A_585 : memref<!tpu.dma_semaphore, #tpu.memory_space<semaphore_mem>>) src(%dma_wait3A_583 : memref<100000x128xf32, #tpu.memory_space<hbm>>) dst(%dma_wait3A_577 : memref<128x128xf32, #tpu.memory_space<vmem>>)
    %add3A_586 = arith.constant 49 : i32
    %add3A_587 = arith.addi %mul3A_2, %add3A_586 : i32
    %mul3A_588 = arith.constant 128 : i32
    %mul3A_589 = arith.muli %add3A_587, %mul3A_588 : i32
    %dma_start3A_590 = arith.constant 4 : i32
    %dma_start3A_591 = arith.constant 4 : i32
    %dma_start3A_592 = arith.constant 0 : i32
    %dma_start3A_593 = arith.constant 0 : i32
    %dma_start3A_594 = tpu.memref_slice %arg6[%dma_start3A_590, %dma_start3A_592, %dma_start3A_593] : memref<5x128x128xf32, #tpu.memory_space<vmem>> -> memref<1x128x128xf32, #tpu.memory_space<vmem>>
    %dma_start3A_595 = tpu.memref_squeeze %dma_start3A_594 : memref<1x128x128xf32, #tpu.memory_space<vmem>> -> memref<128x128xf32, #tpu.memory_space<vmem>>
    %dma_start3A_596 = arith.constant 0 : i32
    %dma_start3A_597 = tpu.memref_slice %arg4[%mul3A_589, %dma_start3A_596] : memref<204800x128xf32, #tpu.memory_space<hbm>> -> memref<128x128xf32, #tpu.memory_space<hbm>>
    %dma_start3A_598 = tpu.memref_slice %arg8[%dma_start3A_591] : memref<5x!tpu.dma_semaphore, #tpu.memory_space<semaphore_mem>> -> memref<1x!tpu.dma_semaphore, #tpu.memory_space<semaphore_mem>>
    %dma_start3A_599 = tpu.memref_squeeze %dma_start3A_598 : memref<1x!tpu.dma_semaphore, #tpu.memory_space<semaphore_mem>> -> memref<!tpu.dma_semaphore, #tpu.memory_space<semaphore_mem>>
    %dma_start3A_600 = arith.constant 0 : i32
    %dma_start3A_601 = tpu.memref_slice %arg4[%mul3A_589, %dma_start3A_600] : memref<204800x128xf32, #tpu.memory_space<hbm>> -> memref<128x128xf32, #tpu.memory_space<hbm>>
    %dma_start3A_602 = arith.constant 0 : i32
    %dma_start3A_603 = arith.constant 0 : i32
    %dma_start3A_604 = tpu.memref_slice %arg6[%dma_start3A_590, %dma_start3A_602, %dma_start3A_603] : memref<5x128x128xf32, #tpu.memory_space<vmem>> -> memref<1x128x128xf32, #tpu.memory_space<vmem>>
    %dma_start3A_605 = tpu.memref_squeeze %dma_start3A_604 : memref<1x128x128xf32, #tpu.memory_space<vmem>> -> memref<128x128xf32, #tpu.memory_space<vmem>>
    tpu.enqueue_dma source(%dma_start3A_605 : memref<128x128xf32, #tpu.memory_space<vmem>>) target(%dma_start3A_601 : memref<128x128xf32, #tpu.memory_space<hbm>>) target_semaphore(%dma_start3A_599 : memref<!tpu.dma_semaphore, #tpu.memory_space<semaphore_mem>>)
    %add3A_606 = arith.constant 45 : i32
    %add3A_607 = arith.addi %mul3A_2, %add3A_606 : i32
    %mul3A_608 = arith.constant 128 : i32
    %mul3A_609 = arith.muli %add3A_607, %mul3A_608 : i32
    %dma_wait3A_610 = arith.constant 0 : i32
    %dma_wait3A_611 = arith.constant 0 : i32
    %dma_wait3A_612 = arith.constant 0 : i32
    %dma_wait3A_613 = arith.constant 0 : i32
    %dma_wait3A_614 = tpu.memref_slice %arg6[%dma_wait3A_610, %dma_wait3A_612, %dma_wait3A_613] : memref<5x128x128xf32, #tpu.memory_space<vmem>> -> memref<1x128x128xf32, #tpu.memory_space<vmem>>
    %dma_wait3A_615 = tpu.memref_squeeze %dma_wait3A_614 : memref<1x128x128xf32, #tpu.memory_space<vmem>> -> memref<128x128xf32, #tpu.memory_space<vmem>>
    %dma_wait3A_616 = arith.constant 0 : i32
    %dma_wait3A_617 = tpu.memref_slice %arg4[%mul3A_609, %dma_wait3A_616] : memref<204800x128xf32, #tpu.memory_space<hbm>> -> memref<128x128xf32, #tpu.memory_space<hbm>>
    %dma_wait3A_618 = tpu.memref_slice %arg8[%dma_wait3A_611] : memref<5x!tpu.dma_semaphore, #tpu.memory_space<semaphore_mem>> -> memref<1x!tpu.dma_semaphore, #tpu.memory_space<semaphore_mem>>
    %dma_wait3A_619 = tpu.memref_squeeze %dma_wait3A_618 : memref<1x!tpu.dma_semaphore, #tpu.memory_space<semaphore_mem>> -> memref<!tpu.dma_semaphore, #tpu.memory_space<semaphore_mem>>
    %dma_wait3A_620 = arith.constant 0 : i32
    %dma_wait3A_621 = tpu.memref_slice %arg4[%mul3A_609, %dma_wait3A_620] : memref<204800x128xf32, #tpu.memory_space<hbm>> -> memref<128x128xf32, #tpu.memory_space<hbm>>
    %dma_wait3A_622 = arith.constant 0 : i32
    %dma_wait3A_623 = arith.constant 0 : i32
    %dma_wait3A_624 = tpu.memref_slice %arg6[%dma_wait3A_610, %dma_wait3A_622, %dma_wait3A_623] : memref<5x128x128xf32, #tpu.memory_space<vmem>> -> memref<1x128x128xf32, #tpu.memory_space<vmem>>
    %dma_wait3A_625 = tpu.memref_squeeze %dma_wait3A_624 : memref<1x128x128xf32, #tpu.memory_space<vmem>> -> memref<128x128xf32, #tpu.memory_space<vmem>>
    tpu.wait_dma2 semaphore(%dma_wait3A_619 : memref<!tpu.dma_semaphore, #tpu.memory_space<semaphore_mem>>) src(%dma_wait3A_625 : memref<128x128xf32, #tpu.memory_space<vmem>>) dst(%dma_wait3A_621 : memref<128x128xf32, #tpu.memory_space<hbm>>)
    %add3A_626 = arith.constant 46 : i32
    %add3A_627 = arith.addi %mul3A_2, %add3A_626 : i32
    %mul3A_628 = arith.constant 128 : i32
    %mul3A_629 = arith.muli %add3A_627, %mul3A_628 : i32
    %dma_wait3A_630 = arith.constant 1 : i32
    %dma_wait3A_631 = arith.constant 1 : i32
    %dma_wait3A_632 = arith.constant 0 : i32
    %dma_wait3A_633 = arith.constant 0 : i32
    %dma_wait3A_634 = tpu.memref_slice %arg6[%dma_wait3A_630, %dma_wait3A_632, %dma_wait3A_633] : memref<5x128x128xf32, #tpu.memory_space<vmem>> -> memref<1x128x128xf32, #tpu.memory_space<vmem>>
    %dma_wait3A_635 = tpu.memref_squeeze %dma_wait3A_634 : memref<1x128x128xf32, #tpu.memory_space<vmem>> -> memref<128x128xf32, #tpu.memory_space<vmem>>
    %dma_wait3A_636 = arith.constant 0 : i32
    %dma_wait3A_637 = tpu.memref_slice %arg4[%mul3A_629, %dma_wait3A_636] : memref<204800x128xf32, #tpu.memory_space<hbm>> -> memref<128x128xf32, #tpu.memory_space<hbm>>
    %dma_wait3A_638 = tpu.memref_slice %arg8[%dma_wait3A_631] : memref<5x!tpu.dma_semaphore, #tpu.memory_space<semaphore_mem>> -> memref<1x!tpu.dma_semaphore, #tpu.memory_space<semaphore_mem>>
    %dma_wait3A_639 = tpu.memref_squeeze %dma_wait3A_638 : memref<1x!tpu.dma_semaphore, #tpu.memory_space<semaphore_mem>> -> memref<!tpu.dma_semaphore, #tpu.memory_space<semaphore_mem>>
    %dma_wait3A_640 = arith.constant 0 : i32
    %dma_wait3A_641 = tpu.memref_slice %arg4[%mul3A_629, %dma_wait3A_640] : memref<204800x128xf32, #tpu.memory_space<hbm>> -> memref<128x128xf32, #tpu.memory_space<hbm>>
    %dma_wait3A_642 = arith.constant 0 : i32
    %dma_wait3A_643 = arith.constant 0 : i32
    %dma_wait3A_644 = tpu.memref_slice %arg6[%dma_wait3A_630, %dma_wait3A_642, %dma_wait3A_643] : memref<5x128x128xf32, #tpu.memory_space<vmem>> -> memref<1x128x128xf32, #tpu.memory_space<vmem>>
    %dma_wait3A_645 = tpu.memref_squeeze %dma_wait3A_644 : memref<1x128x128xf32, #tpu.memory_space<vmem>> -> memref<128x128xf32, #tpu.memory_space<vmem>>
    tpu.wait_dma2 semaphore(%dma_wait3A_639 : memref<!tpu.dma_semaphore, #tpu.memory_space<semaphore_mem>>) src(%dma_wait3A_645 : memref<128x128xf32, #tpu.memory_space<vmem>>) dst(%dma_wait3A_641 : memref<128x128xf32, #tpu.memory_space<hbm>>)
    %add3A_646 = arith.constant 47 : i32
    %add3A_647 = arith.addi %mul3A_2, %add3A_646 : i32
    %mul3A_648 = arith.constant 128 : i32
    %mul3A_649 = arith.muli %add3A_647, %mul3A_648 : i32
    %dma_wait3A_650 = arith.constant 2 : i32
    %dma_wait3A_651 = arith.constant 2 : i32
    %dma_wait3A_652 = arith.constant 0 : i32
    %dma_wait3A_653 = arith.constant 0 : i32
    %dma_wait3A_654 = tpu.memref_slice %arg6[%dma_wait3A_650, %dma_wait3A_652, %dma_wait3A_653] : memref<5x128x128xf32, #tpu.memory_space<vmem>> -> memref<1x128x128xf32, #tpu.memory_space<vmem>>
    %dma_wait3A_655 = tpu.memref_squeeze %dma_wait3A_654 : memref<1x128x128xf32, #tpu.memory_space<vmem>> -> memref<128x128xf32, #tpu.memory_space<vmem>>
    %dma_wait3A_656 = arith.constant 0 : i32
    %dma_wait3A_657 = tpu.memref_slice %arg4[%mul3A_649, %dma_wait3A_656] : memref<204800x128xf32, #tpu.memory_space<hbm>> -> memref<128x128xf32, #tpu.memory_space<hbm>>
    %dma_wait3A_658 = tpu.memref_slice %arg8[%dma_wait3A_651] : memref<5x!tpu.dma_semaphore, #tpu.memory_space<semaphore_mem>> -> memref<1x!tpu.dma_semaphore, #tpu.memory_space<semaphore_mem>>
    %dma_wait3A_659 = tpu.memref_squeeze %dma_wait3A_658 : memref<1x!tpu.dma_semaphore, #tpu.memory_space<semaphore_mem>> -> memref<!tpu.dma_semaphore, #tpu.memory_space<semaphore_mem>>
    %dma_wait3A_660 = arith.constant 0 : i32
    %dma_wait3A_661 = tpu.memref_slice %arg4[%mul3A_649, %dma_wait3A_660] : memref<204800x128xf32, #tpu.memory_space<hbm>> -> memref<128x128xf32, #tpu.memory_space<hbm>>
    %dma_wait3A_662 = arith.constant 0 : i32
    %dma_wait3A_663 = arith.constant 0 : i32
    %dma_wait3A_664 = tpu.memref_slice %arg6[%dma_wait3A_650, %dma_wait3A_662, %dma_wait3A_663] : memref<5x128x128xf32, #tpu.memory_space<vmem>> -> memref<1x128x128xf32, #tpu.memory_space<vmem>>
    %dma_wait3A_665 = tpu.memref_squeeze %dma_wait3A_664 : memref<1x128x128xf32, #tpu.memory_space<vmem>> -> memref<128x128xf32, #tpu.memory_space<vmem>>
    tpu.wait_dma2 semaphore(%dma_wait3A_659 : memref<!tpu.dma_semaphore, #tpu.memory_space<semaphore_mem>>) src(%dma_wait3A_665 : memref<128x128xf32, #tpu.memory_space<vmem>>) dst(%dma_wait3A_661 : memref<128x128xf32, #tpu.memory_space<hbm>>)
    %add3A_666 = arith.constant 48 : i32
    %add3A_667 = arith.addi %mul3A_2, %add3A_666 : i32
    %mul3A_668 = arith.constant 128 : i32
    %mul3A_669 = arith.muli %add3A_667, %mul3A_668 : i32
    %dma_wait3A_670 = arith.constant 3 : i32
    %dma_wait3A_671 = arith.constant 3 : i32
    %dma_wait3A_672 = arith.constant 0 : i32
    %dma_wait3A_673 = arith.constant 0 : i32
    %dma_wait3A_674 = tpu.memref_slice %arg6[%dma_wait3A_670, %dma_wait3A_672, %dma_wait3A_673] : memref<5x128x128xf32, #tpu.memory_space<vmem>> -> memref<1x128x128xf32, #tpu.memory_space<vmem>>
    %dma_wait3A_675 = tpu.memref_squeeze %dma_wait3A_674 : memref<1x128x128xf32, #tpu.memory_space<vmem>> -> memref<128x128xf32, #tpu.memory_space<vmem>>
    %dma_wait3A_676 = arith.constant 0 : i32
    %dma_wait3A_677 = tpu.memref_slice %arg4[%mul3A_669, %dma_wait3A_676] : memref<204800x128xf32, #tpu.memory_space<hbm>> -> memref<128x128xf32, #tpu.memory_space<hbm>>
    %dma_wait3A_678 = tpu.memref_slice %arg8[%dma_wait3A_671] : memref<5x!tpu.dma_semaphore, #tpu.memory_space<semaphore_mem>> -> memref<1x!tpu.dma_semaphore, #tpu.memory_space<semaphore_mem>>
    %dma_wait3A_679 = tpu.memref_squeeze %dma_wait3A_678 : memref<1x!tpu.dma_semaphore, #tpu.memory_space<semaphore_mem>> -> memref<!tpu.dma_semaphore, #tpu.memory_space<semaphore_mem>>
    %dma_wait3A_680 = arith.constant 0 : i32
    %dma_wait3A_681 = tpu.memref_slice %arg4[%mul3A_669, %dma_wait3A_680] : memref<204800x128xf32, #tpu.memory_space<hbm>> -> memref<128x128xf32, #tpu.memory_space<hbm>>
    %dma_wait3A_682 = arith.constant 0 : i32
    %dma_wait3A_683 = arith.constant 0 : i32
    %dma_wait3A_684 = tpu.memref_slice %arg6[%dma_wait3A_670, %dma_wait3A_682, %dma_wait3A_683] : memref<5x128x128xf32, #tpu.memory_space<vmem>> -> memref<1x128x128xf32, #tpu.memory_space<vmem>>
    %dma_wait3A_685 = tpu.memref_squeeze %dma_wait3A_684 : memref<1x128x128xf32, #tpu.memory_space<vmem>> -> memref<128x128xf32, #tpu.memory_space<vmem>>
    tpu.wait_dma2 semaphore(%dma_wait3A_679 : memref<!tpu.dma_semaphore, #tpu.memory_space<semaphore_mem>>) src(%dma_wait3A_685 : memref<128x128xf32, #tpu.memory_space<vmem>>) dst(%dma_wait3A_681 : memref<128x128xf32, #tpu.memory_space<hbm>>)
    %add3A_686 = arith.constant 49 : i32
    %add3A_687 = arith.addi %mul3A_2, %add3A_686 : i32
    %mul3A_688 = arith.constant 128 : i32
    %mul3A_689 = arith.muli %add3A_687, %mul3A_688 : i32
    %dma_wait3A_690 = arith.constant 4 : i32
    %dma_wait3A_691 = arith.constant 4 : i32
    %dma_wait3A_692 = arith.constant 0 : i32
    %dma_wait3A_693 = arith.constant 0 : i32
    %dma_wait3A_694 = tpu.memref_slice %arg6[%dma_wait3A_690, %dma_wait3A_692, %dma_wait3A_693] : memref<5x128x128xf32, #tpu.memory_space<vmem>> -> memref<1x128x128xf32, #tpu.memory_space<vmem>>
    %dma_wait3A_695 = tpu.memref_squeeze %dma_wait3A_694 : memref<1x128x128xf32, #tpu.memory_space<vmem>> -> memref<128x128xf32, #tpu.memory_space<vmem>>
    %dma_wait3A_696 = arith.constant 0 : i32
    %dma_wait3A_697 = tpu.memref_slice %arg4[%mul3A_689, %dma_wait3A_696] : memref<204800x128xf32, #tpu.memory_space<hbm>> -> memref<128x128xf32, #tpu.memory_space<hbm>>
    %dma_wait3A_698 = tpu.memref_slice %arg8[%dma_wait3A_691] : memref<5x!tpu.dma_semaphore, #tpu.memory_space<semaphore_mem>> -> memref<1x!tpu.dma_semaphore, #tpu.memory_space<semaphore_mem>>
    %dma_wait3A_699 = tpu.memref_squeeze %dma_wait3A_698 : memref<1x!tpu.dma_semaphore, #tpu.memory_space<semaphore_mem>> -> memref<!tpu.dma_semaphore, #tpu.memory_space<semaphore_mem>>
    %dma_wait3A_700 = arith.constant 0 : i32
    %dma_wait3A_701 = tpu.memref_slice %arg4[%mul3A_689, %dma_wait3A_700] : memref<204800x128xf32, #tpu.memory_space<hbm>> -> memref<128x128xf32, #tpu.memory_space<hbm>>
    %dma_wait3A_702 = arith.constant 0 : i32
    %dma_wait3A_703 = arith.constant 0 : i32
    %dma_wait3A_704 = tpu.memref_slice %arg6[%dma_wait3A_690, %dma_wait3A_702, %dma_wait3A_703] : memref<5x128x128xf32, #tpu.memory_space<vmem>> -> memref<1x128x128xf32, #tpu.memory_space<vmem>>
    %dma_wait3A_705 = tpu.memref_squeeze %dma_wait3A_704 : memref<1x128x128xf32, #tpu.memory_space<vmem>> -> memref<128x128xf32, #tpu.memory_space<vmem>>
    tpu.wait_dma2 semaphore(%dma_wait3A_699 : memref<!tpu.dma_semaphore, #tpu.memory_space<semaphore_mem>>) src(%dma_wait3A_705 : memref<128x128xf32, #tpu.memory_space<vmem>>) dst(%dma_wait3A_701 : memref<128x128xf32, #tpu.memory_space<hbm>>)
    return
  }
}

</mosaic_0001>

<sc_bundles>
// kernel: sc_embedding_gather.3.cloned.1.call-start
scs
__scs_entry_jumppad:
0x0: {  	(pc) =	sbr.rel $0x88, $3  }
0x1: {  	(tag) =	ssettag $0x0;
	lr =	simm.s32 $0x1  }
0x2: {  	[smem:$0x3F9F] =	sst lr;
	_ =	strace $0xD0000000  }
0x3: {  	_ = 	snop  }
0x4: {  	_ = 	snop  }
0x5: {  	_ = 	snop  }
0x6: {  	_ = 	snop  }
0x7: {  	_ = 	snop  }
__scs_overlays_trampoline_lowered:
0x8: {  	[smem:$0x3FAE] =	sst s0  }
0x9: {  	[smem:$0x3FAF] =	sst s1  }
0xa: {  	[smem:$0x3FB0] =	sst s2  }
0xb: {  	[smem:$0x3FB1] =	sst s3  }
0xc: {  	[smem:$0x3FB2] =	sst s4  }
0xd: {  	[smem:$0x3FB3] =	sst s5  }
0xe: {  	[smem:$0x3FB4] =	sst s6  }
0xf: {  	[smem:$0x3FB5] =	sst s7  }
0x10: {  	[smem:$0x3FB6] =	sst s8  }
0x11: {  	[smem:$0x3FB7] =	sst s9;
	s0 =	simm.s32 @!p0 $0x0  }
0x12: {  	s1 =	sld [smem:$0x3F9D];
	s0 =	simm.s32 @p0 $0x1  }
0x13: {  	[smem:$0x3FB8] =	sst s0;
	s0 =	simm.s32 @!p1 $0x0  }
0x14: {  	s2 =	sld [smem:$0x3F9C];
	s0 =	simm.s32 @p1 $0x1  }
0x15: {  	[smem:$0x3FB9] =	sst s0;
	s0 =	simm.s32 @!p2 $0x0  }
0x16: {  	s3 =	sld [smem:$0x3FDB];
	s0 =	simm.s32 @p2 $0x1  }
0x17: {  	s4 =	simm.s32 $0x1BF5;
	[smem:$0x3FBB] =	sst s0  }
0x18: {  	s0 =	sld [smem:$0x3F9E];
	_ =	swait.ge [sflag:s4], $0x0  }
0x19: {  	s7 =	sld [smem:$0x3F9F]  }
0x1a: {  	s8 =	sadd.s32 $0xFFFFE003, lr  }
0x1b: {  	s9 =	sadd.s32 $0xFFFFFEF7, lr;
	s5 =	simm.s32 $0xFFFFFFFF;
	p2 =	slt.u32 s8, $0xFFFFF086  }
0x1c: {  	p1 =	slt.u32 s9, $0xF7A;
	s5 =	simm.s32 @!p2 $0x0  }
0x1d: {  	s5 =	simm.s32 @p1 $0x1;
	p0 =	seq.s32 s7, s2  }
0x1e: {  	s7 =	smul.u32 @!p0 $0xF7A, s2;
	p2 =	seq.s32 @!p0 s5, $0x0  }
0x1f: {  	s9 =	smul.u32 $0xF7A, s1;
	s8 =	simm.s32 @!p0 $0x1BF5;
	p2 =	por !p2, p0  }
0x20: {  	[sflag:s8] =	ssyncset.s32 @!p0 $0xFFFFF086;
	s6 =	sadd.s32 @!p0 s3, s7;
	s7 =	simm.s32 @!p0 $0x108  }
0x21: {  	s3 =	sadd.s32 s3, s9;
	s6 =	sadd.s32 @!p0 $0x88, s6;
	s7 =	simm.s32 @p2 $0x1082  }
0x22: {  	[simem:s7], [sflag:s8] =	dma.local @!p0 [hbm:s6], $0xF7A  }
0x23: {  	s9 =	sor.u32 $0xD0000000, s2;
	s6 =	simm.s32 $0x108;
	_ =	swait.ge @!p0 [sflag:s8], $0x0  }
0x24: {  	s3 =	sadd.s32 $0x88, s3;
	s6 =	simm.s32 @!p1 $0x1082;
	[sflag:s4] =	ssyncset.s32 $0xFFFFF086  }
0x25: {  	[simem:s6], [sflag:s4] =	dma.local [hbm:s3], $0xF7A  }
0x26: {  	[smem:$0x3F9F] =	sst s1;
	(tag) =	ssettag s2;
	_ =	strace s9  }
0x27: {  	s1 =	sld [smem:$0x3FAF]  }
0x28: {  	s2 =	sld [smem:$0x3FB0]  }
0x29: {  	s4 =	sld [smem:$0x3FB2]  }
0x2a: {  	p0 =	seq.s32 s5, $0x0;
	s5 =	sld [smem:$0x3FB3]  }
0x2b: {  	s6 =	sld [smem:$0x3FB4]  }
0x2c: {  	s7 =	sld [smem:$0x3FB5]  }
0x2d: {  	s3 =	simm.s32 $0x108;
	s8 =	sld [smem:$0x3FB6]  }
0x2e: {  	s3 =	simm.s32 @!p0 $0x1082;
	s9 =	sld [smem:$0x3FB7]  }
0x2f: {  	lr =	sadd.s32 s0, s3;
	s0 =	sld [smem:$0x3FAE]  }
0x30: {  	s3 =	sld [smem:$0x3FB1]  }
0x31: {  	[smem:$0x3FBA] =	sst s10  }
0x32: {  	s10 =	sld [smem:$0x3FB8];
	_ =	sdelay $0x3  }
0x33: {  	p0 =	seq.s32 s10, $0x1;
	s10 =	sld [smem:$0x3FBA];
	_ =	sdelay $0x3  }
0x34: {  	[smem:$0x3FBA] =	sst s10  }
0x35: {  	s10 =	sld [smem:$0x3FB9];
	_ =	sdelay $0x3  }
0x36: {  	p1 =	seq.s32 s10, $0x1;
	s10 =	sld [smem:$0x3FBA];
	_ =	sdelay $0x3  }
0x37: {  	[smem:$0x3FBA] =	sst s10  }
0x38: {  	s10 =	sld [smem:$0x3FBB]  }
0x39: {  	_ = 	snop;
	(pc) =	sbr.ind lr, $3  }
0x3a: {  	_ = 	snop  }
0x3b: {  	_ = 	snop  }
0x3c: {  	p2 =	seq.s32 s10, $0x1;
	s10 =	sld [smem:$0x3FBA]  }
0x3d: {  	_ =	shalt  }
0x3e: {  	_ =	shalt  }
0x3f: {  	_ =	shalt  }
0x40: {  	_ =	shalt  }
0x41: {  	_ =	shalt  }
0x42: {  	_ =	shalt  }
0x43: {  	_ =	shalt  }
0x44: {  	_ =	shalt  }
0x45: {  	_ =	shalt  }
0x46: {  	_ =	shalt  }
0x47: {  	_ =	shalt  }
0x48: {  	_ =	shalt  }
0x49: {  	_ =	shalt  }
0x4a: {  	_ =	shalt  }
0x4b: {  	_ =	shalt  }
0x4c: {  	_ =	shalt  }
0x4d: {  	_ =	shalt  }
0x4e: {  	_ =	shalt  }
0x4f: {  	_ =	shalt  }
0x50: {  	_ =	shalt  }
0x51: {  	_ =	shalt  }
0x52: {  	_ =	shalt  }
0x53: {  	_ =	shalt  }
0x54: {  	_ =	shalt  }
0x55: {  	_ =	shalt  }
0x56: {  	_ =	shalt  }
0x57: {  	_ =	shalt  }
0x58: {  	_ =	shalt  }
0x59: {  	_ =	shalt  }
0x5a: {  	_ =	shalt  }
0x5b: {  	_ =	shalt  }
0x5c: {  	_ =	shalt  }
0x5d: {  	_ =	shalt  }
0x5e: {  	_ =	shalt  }
0x5f: {  	_ =	shalt  }
0x60: {  	_ =	shalt  }
0x61: {  	_ =	shalt  }
0x62: {  	_ =	shalt  }
0x63: {  	_ =	shalt  }
0x64: {  	_ =	shalt  }
0x65: {  	_ =	shalt  }
0x66: {  	_ =	shalt  }
0x67: {  	_ =	shalt  }
0x68: {  	_ =	shalt  }
0x69: {  	_ =	shalt  }
0x6a: {  	_ =	shalt  }
0x6b: {  	_ =	shalt  }
0x6c: {  	_ =	shalt  }
0x6d: {  	_ =	shalt  }
0x6e: {  	_ =	shalt  }
0x6f: {  	_ =	shalt  }
0x70: {  	_ =	shalt  }
0x71: {  	_ =	shalt  }
0x72: {  	_ =	shalt  }
0x73: {  	_ =	shalt  }
0x74: {  	_ =	shalt  }
0x75: {  	_ =	shalt  }
0x76: {  	_ =	shalt  }
0x77: {  	_ =	shalt  }
0x78: {  	_ =	shalt  }
0x79: {  	_ =	shalt  }
0x7a: {  	_ =	shalt  }
0x7b: {  	_ =	shalt  }
0x7c: {  	_ =	shalt  }
0x7d: {  	_ =	shalt  }
0x7e: {  	_ =	shalt  }
0x7f: {  	_ =	shalt  }
0x80: {  	_ =	shalt  }
0x81: {  	_ =	shalt  }
0x82: {  	_ =	shalt  }
0x83: {  	_ =	shalt  }
0x84: {  	_ =	shalt  }
0x85: {  	_ =	shalt  }
0x86: {  	_ =	shalt  }
0x87: {  	_ =	shalt  }
.Lfunc_end0:
.L_simem_size_0:
called_computation_lowered:
.L_overlay_start_0:
0x88: {  	s2 =	sld [smem:$0x3FD9]  }
0x89: {  	s3 =	sld [smem:$0x3FFE];
	_ =	sdelay $0x1  }
0x8a: {  	s1 =	srdreg.scid  }
0x8b: {  	s0 =	sand.u32 $0x1, s1  }
0x8c: {  	s17 =	sshll.u32 s0, $0xA;
	s2 =	sadd.s32 s3, s2  }
0x8d: {  	s2 =	sadd.s32 s2, s17  }
0x8e: {  	[smem:$0x3FC6] =	sst s2  }
0x8f: {  	_ = 	snop  }
0x90: {  	s2 =	sld [smem:$0x3FC9]  }
0x91: {  	s18 =	sld [smem:$0x3FD0];
	(tm) =	ssettm $0x1  }
0x92: {  	s4 =	sld [smem:$0x3FFB];
	_ =	sdelay $0x3  }
0x93: {  	_ =	strace s4  }
0x94: {  	s4 =	sld [smem:$0x3FFC];
	_ =	sdelay $0x3  }
0x95: {  	_ =	strace s4  }
0x96: {  	s4 =	sld [smem:$0x3FFD];
	_ =	sdelay $0x3  }
0x97: {  	_ =	strace s4  }
0x98: {  	_ =	strace $0x8FFFFFFF  }
0x99: {  	s19 =	sld [smem:$0x3FDB];
	_ =	sdelay $0x1  }
0x9a: {  	s5 =	simm.s32 $_scs_section_size  }
0x9b: {  	s6 =	simm.s32 $_size__tile_overlayer_lowered;
	s7 =	simm.s32 $_tile_overlayer_lowered  }
0x9c: {  	s22 =	simm.s32 $0x1BFF;
	s21 =	sshll.u32 s7, $0x1;
	s4 =	sadd.s32 s5, s19  }
0x9d: {  	s8 =	simm.s32 $0x0;
	s20 =	sshll.u32 s6, $0x1;
	s6 =	sadd.s32 s21, s4  }
0x9e: {  	[timem:s8], [sflag:s22] =	dma.local [hbm:s6], s20  }
0x9f: {  	_ =	swait.ge [sflag:s22], s20  }
0xa0: {  	s5 =	ssub.s32 $0x0, s20;
	[sflag:s22] =	ssyncset.done $0x0  }
0xa1: {  	[sflag:s22] =	ssyncadd.s32 s5;
	_ =	sdelay $0x1  }
0xa2: {  	s23 =	simm.s32 $0x1B8B  }
0xa3: {  	_ =	swait.ge [sflag:s23], $0x1  }
0xa4: {  	[sflag:s23] =	ssyncset.done $0x0  }
0xa5: {  	s25 =	simm.s32 $0x1B8E;
	s24 =	sld [smem:$0x3FFE];
	[sflag:s23] =	ssyncadd.s32 $0xFFFFFFFF  }
0xa6: {  	s26 =	simm.s32 $execute0_lowered;
	[smem:$0x3FD2] =	sst s25  }
0xa7: {  	s6 =	sshll.u32 s26, $0x1;
	_ =	strace $0x80000046;
	[dreg:$0x1] =	wrdreg $0xFFFFFFFF  }
0xa8: {  	s28 =	simm.s32 $_size_execute0_lowered;
	s4 =	sadd.s32 s4, s6;
	[dreg:$0x0] =	wrdreg $0x0  }
0xa9: {  	s6 =	sshll.u32 s28, $0x1;
	[dreg:$0x2] =	wrdreg s4  }
0xaa: {  	[dreg:$0x3] =	wrdreg s6  }
0xab: {  	[dreg:$0x4] =	wrdreg $0xC0  }
0xac: {  	_ =	task [dreg:s8], $0x5FFFF  }
0xad: {  	[dreg:$0x1] =	wrdreg $0xFFFFFFFF  }
0xae: {  	[dreg:$0x0] =	wrdreg $0x60  }
0xaf: {  	[dreg:$0x2] =	wrdreg s2  }
0xb0: {  	[dreg:$0x3] =	wrdreg s24  }
0xb1: {  	[dreg:$0x4] =	wrdreg s18  }
0xb2: {  	[dreg:$0x5] =	wrdreg $0x9  }
0xb3: {  	_ =	task.clear_ibuf [dreg:s8], $0x6FFFF;
	_ =	strace $0x90000046  }
0xb4: {  	s29 =	simm.s32 $0x9;
	_ =	strace $0x80000048  }
0xb5: {  	_ =	swait.ge [sflag:s29], $0x1  }
0xb6: {  	[sflag:s29] =	ssyncadd.s32 $0xFFFFFFFF  }
0xb7: {  	_ =	strace $0x90000048  }
0xb8: {  	_ =	sfence  }
0xb9: {  	s30 =	sld [smem:$0x0];
	_ =	sdelay $0x2  }
0xba: {  	s31 =	sshll.u32 s1, $0xD;
	s1 =	sshrl.u32 s1, $0x2  }
0xbb: {  	s3 =	sand.u32 $0x4000, s31;
	s1 =	sadd.s32 s1, s30  }
0xbc: {  	s0 =	sor.u32 s3, s0;
	s1 =	sshll.u32 s1, $0x11  }
0xbd: {  	s0 =	sor.u32 s1, s0  }
0xbe: {  	s0 =	sadd.s32 $0x8F2B, s0  }
0xbf: {  	[sflag:s0] =	ssyncadd.remote.s32 $0x1  }
0xc0: {  	_ =	sfence.sel $0xFFFF  }
0xc1: {  	[dreg:$0x0] =	wrdreg $0xFFFFFFFF;
	(pc) =	sbr.abs _section_cstart, $3  }
0xc2: {  	[dreg:$0x1] =	wrdreg $0xFFFFFFFF  }
0xc3: {  	_ =	task.clear_ibuf [dreg:s8], $0x2FFFF;
	_ =	strace $0x9FFFFFFF  }
0xc4: {  	(tm) =	ssettm $0x7FFFFFFF  }
0xc5: {  	_ =	shalt  }
tec
execute0_lowered:
.L_overlay_start_1:
0x0: {  	(tag) =	ssettag $0x1  }
0x1: {  	s1 =	rddreg [dreg:$0x0]  }
0x2: {  	s0 =	rddreg [dreg:$0x1]  }
0x3: {  	s2 =	srdreg.scid;
	s9 =	stileid.u32  }
0x4: {  	s4 =	rddreg [dreg:$0x2];
	s3 =	simm.s32 $0x0;
	s29 =	simm.s32 $0xDC00  }
0x5: {  	s30 =	simm.s32 $0x3;
	s31 =	simm.s32 $0x5;
	s28 =	simm.s32 $0x7  }
0x6: {  	s2 =	sand.u32 $0x1, s2;
	s5 =	sshll.u32 s9, $0x1;
	s19 =	smul.u32 $0x64, s9  }
0x7: {  	s5 =	sor.u32 s2, s5;
	s7 =	ssub.s32 $0x2, s2;
	s2 =	smul.u32 $0x32, s2  }
0x8: {  	[smem:$0x7FF] =	sst s3;
	s18 =	sadd.s32 $0x800, s4;
	s6 =	smul.u32 $0x380, s5  }
0x9: {  	_ =	strace $0x80000047;
	s8 =	smul.u32 $0x19000, s5;
	s16 =	sshrl.u32 s7, $0x1  }
0xa: {  	s5 =	smul.u32 $0xC8000, s5;
	s2 =	sadd.s32 s2, s19;
	s19 =	simm.s32 $0xB  }
0xb: {  	s0 =	sadd.s32 s6, s0;
	s6 =	ssub.s32 s7, s16;
	s17 =	sadd.s32 s4, s8  }
0xc: {  	s5 =	sshrl.u32 s5, $0x3;
	s8 =	sadd.s32 s8, s18;
	s2 =	sshll.u32 s2, $0xB  }
0xd: {  	s7 =	simm.s32 $0x0;
	s0 =	sadd.s32 $0x400, s0;
	[dreg:$0x5] =	wrdreg s17  }
0xe: {  	[dreg:$0x6] =	wrdreg s8;
	s5 =	sadd.s32 s4, s5;
	s4 =	sadd.s32 s2, s4  }
0xf: {  	s15 =	smax.u32 s6, $0x1;
	[dreg:$0x4] =	wrdreg s0;
	s20 =	sadd.s32 $0x1000, s5  }
0x10: {  	s6 =	simm.s32 $0xA;
	s21 =	sadd.s32 $0x1800, s5;
	[dreg:$0x7] =	wrdreg s20  }
0x11: {  	s22 =	sadd.s32 $0x2000, s5;
	s23 =	sadd.s32 $0x16800, s5;
	[dreg:$0x8] =	wrdreg s21  }
0x12: {  	s24 =	sadd.s32 $0x17000, s5;
	s25 =	sadd.s32 $0x17800, s5;
	[dreg:$0x9] =	wrdreg s22  }
0x13: {  	s26 =	sadd.s32 $0x18000, s5;
	s14 =	sadd.s32 $0x18800, s5;
	[dreg:$0xa] =	wrdreg s23  }
0x14: {  	s0 =	sadd.s32 s18, s2;
	s16 =	sadd.s32 $0x3000, s4;
	[dreg:$0xb] =	wrdreg s24  }
0x15: {  	s18 =	sadd.s32 $0x2800, s4;
	s2 =	simm.s32 $0x11C00;
	[dreg:$0xc] =	wrdreg s25  }
0x16: {  	s4 =	simm.s32 $0x8;
	s5 =	simm.s32 $0x9;
	[dreg:$0xd] =	wrdreg s26  }
0x17: {  	s17 =	sadd.s32 $0x4000, s0;
	s20 =	simm.s32 $0x80;
	s21 =	simm.s32 $0x1C00  }
0x18: {  	s22 =	simm.s32 $0x5C00;
	s23 =	simm.s32 $0x1;
	s25 =	simm.s32 $0x9C00  }
0x19: {  	s26 =	simm.s32 $0x2;
	s0 =	simm.s32 $0x4;
	s24 =	simm.s32 $0x6  }
.LBB2_1:
0x1a: {  	s8 =	rddreg [dreg:$0x4]  }
0x1b: {  	[tilespmem:s3], [sflag:$0xB] =	stream.linear.gather [hbm4b:s8+s3], $0x1900, $0x38;
	[tilespmem:$0x15C00] =	vst v63  }
0x1c: {  	_ =	swait.ge [sflag:s19], $0x1900  }
0x1d: {  	[sflag:s19] =	ssyncset.done $0x0  }
0x1e: {  	[sflag:s19] =	ssyncadd.s32 $0xFFFFE700  }
0x1f: {  	[tilespmem:s21], [sflag:$0x1] =	stream.indirect.gather [hbm4b:s1+s20], $0x80, s3, s20, $0xb8;
	[tilespmem:$0x15C00] =	vst v63  }
0x20: {  	_ = 	snop  }
0x21: {  	[tilespmem:s22], [sflag:$0x2] =	stream.indirect.gather [hbm4b:s1+s20], $0x80, s20, s20, $0xb8;
	[tilespmem:$0x15C00] =	vst v63  }
0x22: {  	_ =	swait.ge [sflag:s23], $0x4000  }
0x23: {  	[sflag:s23] =	ssyncset.done $0x0  }
0x24: {  	s13 =	rddreg [dreg:$0x5];
	[sflag:s23] =	ssyncadd.s32 $0xFFFFC000  }
0x25: {  	[hbm4b:s13+s3] =	stream.linear.scatter [tilespmem:s21], [sflag:$0x6], $0x4000, $0x38;
	[tilespmem:$0x15C00] =	vst v63  }
0x26: {  	s9 =	simm.s32 $0x100  }
0x27: {  	[tilespmem:s25], [sflag:$0x3] =	stream.indirect.gather [hbm4b:s1+s20], $0x80, s9, s20, $0xb8;
	[tilespmem:$0x15C00] =	vst v63  }
0x28: {  	_ =	swait.ge [sflag:s26], $0x4000  }
0x29: {  	[sflag:s26] =	ssyncset.done $0x0  }
0x2a: {  	s10 =	rddreg [dreg:$0x6];
	[sflag:s26] =	ssyncadd.s32 $0xFFFFC000  }
0x2b: {  	[hbm4b:s10+s3] =	stream.linear.scatter [tilespmem:s22], [sflag:$0x7], $0x4000, $0x38;
	[tilespmem:$0x15C00] =	vst v63  }
0x2c: {  	s11 =	simm.s32 $0x180  }
0x2d: {  	[tilespmem:s29], [sflag:$0x4] =	stream.indirect.gather [hbm4b:s1+s20], $0x80, s11, s20, $0xb8;
	[tilespmem:$0x15C00] =	vst v63  }
0x2e: {  	_ =	swait.ge [sflag:s30], $0x4000  }
0x2f: {  	[sflag:s30] =	ssyncset.done $0x0  }
0x30: {  	s12 =	rddreg [dreg:$0x7];
	[sflag:s30] =	ssyncadd.s32 $0xFFFFC000  }
0x31: {  	[hbm4b:s12+s3] =	stream.linear.scatter [tilespmem:s25], [sflag:$0x8], $0x4000, $0x38;
	[tilespmem:$0x15C00] =	vst v63  }
0x32: {  	s13 =	simm.s32 $0x200  }
0x33: {  	[tilespmem:s2], [sflag:$0x5] =	stream.indirect.gather [hbm4b:s1+s20], $0x80, s13, s20, $0xb8;
	[tilespmem:$0x15C00] =	vst v63  }
0x34: {  	_ =	swait.ge [sflag:s0], $0x4000  }
0x35: {  	[sflag:s0] =	ssyncset.done $0x0  }
0x36: {  	s9 =	rddreg [dreg:$0x8];
	[sflag:s0] =	ssyncadd.s32 $0xFFFFC000  }
0x37: {  	[hbm4b:s9+s3] =	stream.linear.scatter [tilespmem:s29], [sflag:$0x9], $0x4000, $0x38;
	[tilespmem:$0x15C00] =	vst v63  }
0x38: {  	_ =	swait.ge [sflag:s24], $0x4000  }
0x39: {  	[sflag:s24] =	ssyncset.done $0x0  }
0x3a: {  	s10 =	simm.s32 $0x280;
	[sflag:s24] =	ssyncadd.s32 $0xFFFFC000  }
0x3b: {  	[tilespmem:s21], [sflag:$0x1] =	stream.indirect.gather [hbm4b:s1+s20], $0x80, s10, s20, $0xb8;
	[tilespmem:$0x15C00] =	vst v63  }
0x3c: {  	_ =	swait.ge [sflag:s31], $0x4000  }
0x3d: {  	[sflag:s31] =	ssyncset.done $0x0  }
0x3e: {  	s11 =	rddreg [dreg:$0x9];
	[sflag:s31] =	ssyncadd.s32 $0xFFFFC000  }
0x3f: {  	[hbm4b:s11+s3] =	stream.linear.scatter [tilespmem:s2], [sflag:$0xA], $0x4000, $0x38;
	[tilespmem:$0x15C00] =	vst v63  }
0x40: {  	_ =	swait.ge [sflag:s28], $0x4000  }
0x41: {  	[sflag:s28] =	ssyncset.done $0x0  }
0x42: {  	s12 =	simm.s32 $0x300;
	[sflag:s28] =	ssyncadd.s32 $0xFFFFC000  }
0x43: {  	[tilespmem:s22], [sflag:$0x2] =	stream.indirect.gather [hbm4b:s1+s20], $0x80, s12, s20, $0xb8;
	[tilespmem:$0x15C00] =	vst v63  }
0x44: {  	_ =	swait.ge [sflag:s23], $0x4000  }
0x45: {  	[sflag:s23] =	ssyncset.done $0x0  }
0x46: {  	[sflag:s23] =	ssyncadd.s32 $0xFFFFC000  }
0x47: {  	[hbm4b:s18+s3] =	stream.linear.scatter [tilespmem:s21], [sflag:$0x6], $0x4000, $0x38;
	[tilespmem:$0x15C00] =	vst v63  }
0x48: {  	_ =	swait.ge [sflag:s4], $0x4000  }
0x49: {  	[sflag:s4] =	ssyncset.done $0x0  }
0x4a: {  	s13 =	simm.s32 $0x380;
	[sflag:s4] =	ssyncadd.s32 $0xFFFFC000  }
0x4b: {  	[tilespmem:s25], [sflag:$0x3] =	stream.indirect.gather [hbm4b:s1+s20], $0x80, s13, s20, $0xb8;
	[tilespmem:$0x15C00] =	vst v63  }
0x4c: {  	_ =	swait.ge [sflag:s26], $0x4000  }
0x4d: {  	[sflag:s26] =	ssyncset.done $0x0  }
0x4e: {  	[sflag:s26] =	ssyncadd.s32 $0xFFFFC000  }
0x4f: {  	[hbm4b:s16+s3] =	stream.linear.scatter [tilespmem:s22], [sflag:$0x7], $0x4000, $0x38;
	[tilespmem:$0x15C00] =	vst v63  }
0x50: {  	_ =	swait.ge [sflag:s5], $0x4000  }
0x51: {  	[sflag:s5] =	ssyncset.done $0x0  }
0x52: {  	s9 =	simm.s32 $0x400;
	[sflag:s5] =	ssyncadd.s32 $0xFFFFC000  }
0x53: {  	[tilespmem:s29], [sflag:$0x4] =	stream.indirect.gather [hbm4b:s1+s20], $0x80, s9, s20, $0xb8;
	[tilespmem:$0x15C00] =	vst v63  }
0x54: {  	_ =	swait.ge [sflag:s30], $0x4000  }
0x55: {  	[sflag:s30] =	ssyncset.done $0x0  }
0x56: {  	s10 =	sadd.s32 $0x800, s16;
	[sflag:s30] =	ssyncadd.s32 $0xFFFFC000  }
0x57: {  	[hbm4b:s10+s3] =	stream.linear.scatter [tilespmem:s25], [sflag:$0x8], $0x4000, $0x38;
	[tilespmem:$0x15C00] =	vst v63  }
0x58: {  	_ =	swait.ge [sflag:s6], $0x4000  }
0x59: {  	[sflag:s6] =	ssyncset.done $0x0  }
0x5a: {  	s11 =	simm.s32 $0x480;
	[sflag:s6] =	ssyncadd.s32 $0xFFFFC000  }
0x5b: {  	[tilespmem:s2], [sflag:$0x5] =	stream.indirect.gather [hbm4b:s1+s20], $0x80, s11, s20, $0xb8;
	[tilespmem:$0x15C00] =	vst v63  }
0x5c: {  	_ =	swait.ge [sflag:s0], $0x4000  }
0x5d: {  	[sflag:s0] =	ssyncset.done $0x0  }
0x5e: {  	s12 =	sadd.s32 $0xFFFFF800, s17;
	[sflag:s0] =	ssyncadd.s32 $0xFFFFC000  }
0x5f: {  	[hbm4b:s12+s3] =	stream.linear.scatter [tilespmem:s29], [sflag:$0x9], $0x4000, $0x38;
	[tilespmem:$0x15C00] =	vst v63  }
0x60: {  	_ =	swait.ge [sflag:s24], $0x4000  }
0x61: {  	[sflag:s24] =	ssyncset.done $0x0  }
0x62: {  	s13 =	simm.s32 $0x500;
	[sflag:s24] =	ssyncadd.s32 $0xFFFFC000  }
0x63: {  	[tilespmem:s21], [sflag:$0x1] =	stream.indirect.gather [hbm4b:s1+s20], $0x80, s13, s20, $0xb8;
	[tilespmem:$0x15C00] =	vst v63  }
0x64: {  	_ =	swait.ge [sflag:s31], $0x4000  }
0x65: {  	[sflag:s31] =	ssyncset.done $0x0  }
0x66: {  	[sflag:s31] =	ssyncadd.s32 $0xFFFFC000  }
0x67: {  	[hbm4b:s17+s3] =	stream.linear.scatter [tilespmem:s2], [sflag:$0xA], $0x4000, $0x38;
	[tilespmem:$0x15C00] =	vst v63  }
0x68: {  	s8 =	simm.s32 $0xA00;
	_ =	swait.ge [sflag:s28], $0x4000  }
0x69: {  	s9 =	sadd.s32 $0x2800, s17;
	s10 =	sadd.s32 $0x2800, s18;
	[sflag:s28] =	ssyncset.done $0x0  }
0x6a: {  	s11 =	sadd.s32 $0x2800, s16;
	s12 =	simm.s32 $0x580;
	[sflag:s28] =	ssyncadd.s32 $0xFFFFC000  }
.LBB2_2:
0x6b: {  	[tilespmem:s22], [sflag:$0x2] =	stream.indirect.gather [hbm4b:s1+s20], $0x80, s12, s20, $0xb8;
	[tilespmem:$0x15C00] =	vst v63  }
0x6c: {  	s12 =	smov.u32 s8  }
0x6d: {  	p0 =	sne.s32 s8, $0x4600;
	s8 =	sadd.s32 $0xA00, s8;
	_ =	swait.ge [sflag:s23], $0x4000  }
0x6e: {  	[sflag:s23] =	ssyncset.done $0x0  }
0x6f: {  	[sflag:s23] =	ssyncadd.s32 $0xFFFFC000  }
0x70: {  	[hbm4b:s10+s3] =	stream.linear.scatter [tilespmem:s21], [sflag:$0x6], $0x4000, $0x38;
	[tilespmem:$0x15C00] =	vst v63  }
0x71: {  	_ =	swait.ge [sflag:s4], $0x4000  }
0x72: {  	s12 =	sshra.s32 s12, $0x2;
	[sflag:s4] =	ssyncset.done $0x0  }
0x73: {  	s13 =	sadd.s32 $0x380, s12;
	[sflag:s4] =	ssyncadd.s32 $0xFFFFC000  }
0x74: {  	[tilespmem:s25], [sflag:$0x3] =	stream.indirect.gather [hbm4b:s1+s20], $0x80, s13, s20, $0xb8;
	[tilespmem:$0x15C00] =	vst v63  }
0x75: {  	_ =	swait.ge [sflag:s26], $0x4000  }
0x76: {  	[sflag:s26] =	ssyncset.done $0x0  }
0x77: {  	[sflag:s26] =	ssyncadd.s32 $0xFFFFC000  }
0x78: {  	[hbm4b:s11+s3] =	stream.linear.scatter [tilespmem:s22], [sflag:$0x7], $0x4000, $0x38;
	[tilespmem:$0x15C00] =	vst v63  }
0x79: {  	_ =	swait.ge [sflag:s5], $0x4000  }
0x7a: {  	[sflag:s5] =	ssyncset.done $0x0  }
0x7b: {  	s13 =	sadd.s32 $0x400, s12;
	[sflag:s5] =	ssyncadd.s32 $0xFFFFC000  }
0x7c: {  	[tilespmem:s29], [sflag:$0x4] =	stream.indirect.gather [hbm4b:s1+s20], $0x80, s13, s20, $0xb8;
	[tilespmem:$0x15C00] =	vst v63  }
0x7d: {  	_ =	swait.ge [sflag:s30], $0x4000  }
0x7e: {  	[sflag:s30] =	ssyncset.done $0x0  }
0x7f: {  	s13 =	sadd.s32 $0x800, s11;
	[sflag:s30] =	ssyncadd.s32 $0xFFFFC000  }
0x80: {  	[hbm4b:s13+s3] =	stream.linear.scatter [tilespmem:s25], [sflag:$0x8], $0x4000, $0x38;
	[tilespmem:$0x15C00] =	vst v63  }
0x81: {  	_ =	swait.ge [sflag:s6], $0x4000  }
0x82: {  	[sflag:s6] =	ssyncset.done $0x0  }
0x83: {  	s13 =	sadd.s32 $0x480, s12;
	[sflag:s6] =	ssyncadd.s32 $0xFFFFC000  }
0x84: {  	[tilespmem:s2], [sflag:$0x5] =	stream.indirect.gather [hbm4b:s1+s20], $0x80, s13, s20, $0xb8;
	[tilespmem:$0x15C00] =	vst v63  }
0x85: {  	_ =	swait.ge [sflag:s0], $0x4000  }
0x86: {  	[sflag:s0] =	ssyncset.done $0x0  }
0x87: {  	s13 =	sadd.s32 $0xFFFFF800, s9;
	[sflag:s0] =	ssyncadd.s32 $0xFFFFC000  }
0x88: {  	[hbm4b:s13+s3] =	stream.linear.scatter [tilespmem:s29], [sflag:$0x9], $0x4000, $0x38;
	[tilespmem:$0x15C00] =	vst v63  }
0x89: {  	_ =	swait.ge [sflag:s24], $0x4000  }
0x8a: {  	[sflag:s24] =	ssyncset.done $0x0  }
0x8b: {  	s13 =	sadd.s32 $0x500, s12;
	[sflag:s24] =	ssyncadd.s32 $0xFFFFC000  }
0x8c: {  	[tilespmem:s21], [sflag:$0x1] =	stream.indirect.gather [hbm4b:s1+s20], $0x80, s13, s20, $0xb8;
	[tilespmem:$0x15C00] =	vst v63  }
0x8d: {  	_ =	swait.ge [sflag:s31], $0x4000  }
0x8e: {  	[sflag:s31] =	ssyncset.done $0x0  }
.Ltmp0:
0x8f: {  	[sflag:s31] =	ssyncadd.s32 $0xFFFFC000;
	(pc) =	sbr.rel @p0 .LBB2_2-.Ltmp0, $4  }
0x90: {  	[hbm4b:s9+s3] =	stream.linear.scatter [tilespmem:s2], [sflag:$0xA], $0x4000, $0x38;
	[tilespmem:$0x15C00] =	vst v63  }
0x91: {  	_ =	swait.ge [sflag:s28], $0x4000  }
0x92: {  	s10 =	sadd.s32 $0x2800, s10;
	s9 =	sadd.s32 $0x2800, s9;
	[sflag:s28] =	ssyncset.done $0x0  }
0x93: {  	s11 =	sadd.s32 $0x2800, s11;
	s12 =	sadd.s32 $0x580, s12;
	[sflag:s28] =	ssyncadd.s32 $0xFFFFC000  }
0x94: {  	[tilespmem:s22], [sflag:$0x2] =	stream.indirect.gather [hbm4b:s1+s20], $0x80, s12, s20, $0xb8;
	[tilespmem:$0x15C00] =	vst v63  }
0x95: {  	_ =	swait.ge [sflag:s23], $0x4000  }
0x96: {  	[sflag:s23] =	ssyncset.done $0x0  }
0x97: {  	s8 =	rddreg [dreg:$0xa];
	[sflag:s23] =	ssyncadd.s32 $0xFFFFC000  }
0x98: {  	[hbm4b:s8+s3] =	stream.linear.scatter [tilespmem:s21], [sflag:$0x6], $0x4000, $0x38;
	[tilespmem:$0x15C00] =	vst v63  }
0x99: {  	_ =	swait.ge [sflag:s4], $0x4000  }
0x9a: {  	[sflag:s4] =	ssyncset.done $0x0  }
0x9b: {  	s13 =	simm.s32 $0x1780;
	[sflag:s4] =	ssyncadd.s32 $0xFFFFC000  }
0x9c: {  	[tilespmem:s25], [sflag:$0x3] =	stream.indirect.gather [hbm4b:s1+s20], $0x80, s13, s20, $0xb8;
	[tilespmem:$0x15C00] =	vst v63  }
0x9d: {  	_ =	swait.ge [sflag:s26], $0x4000  }
0x9e: {  	[sflag:s26] =	ssyncset.done $0x0  }
0x9f: {  	s9 =	rddreg [dreg:$0xb];
	[sflag:s26] =	ssyncadd.s32 $0xFFFFC000  }
0xa0: {  	[hbm4b:s9+s3] =	stream.linear.scatter [tilespmem:s22], [sflag:$0x7], $0x4000, $0x38;
	[tilespmem:$0x15C00] =	vst v63  }
0xa1: {  	_ =	swait.ge [sflag:s5], $0x4000  }
0xa2: {  	[sflag:s5] =	ssyncset.done $0x0  }
0xa3: {  	s10 =	simm.s32 $0x1800;
	[sflag:s5] =	ssyncadd.s32 $0xFFFFC000  }
0xa4: {  	[tilespmem:s29], [sflag:$0x4] =	stream.indirect.gather [hbm4b:s1+s20], $0x80, s10, s20, $0xb8;
	[tilespmem:$0x15C00] =	vst v63  }
0xa5: {  	_ =	swait.ge [sflag:s30], $0x4000  }
0xa6: {  	[sflag:s30] =	ssyncset.done $0x0  }
0xa7: {  	s11 =	rddreg [dreg:$0xc];
	[sflag:s30] =	ssyncadd.s32 $0xFFFFC000  }
0xa8: {  	[hbm4b:s11+s3] =	stream.linear.scatter [tilespmem:s25], [sflag:$0x8], $0x4000, $0x38;
	[tilespmem:$0x15C00] =	vst v63  }
0xa9: {  	_ =	swait.ge [sflag:s6], $0x4000  }
0xaa: {  	[sflag:s6] =	ssyncset.done $0x0  }
0xab: {  	s12 =	simm.s32 $0x1880;
	[sflag:s6] =	ssyncadd.s32 $0xFFFFC000  }
0xac: {  	[tilespmem:s2], [sflag:$0x5] =	stream.indirect.gather [hbm4b:s1+s20], $0x80, s12, s20, $0xb8;
	[tilespmem:$0x15C00] =	vst v63  }
0xad: {  	_ =	swait.ge [sflag:s0], $0x4000  }
0xae: {  	[sflag:s0] =	ssyncset.done $0x0  }
0xaf: {  	s13 =	rddreg [dreg:$0xd];
	[sflag:s0] =	ssyncadd.s32 $0xFFFFC000  }
0xb0: {  	[hbm4b:s13+s3] =	stream.linear.scatter [tilespmem:s29], [sflag:$0x9], $0x4000, $0x38;
	[tilespmem:$0x15C00] =	vst v63  }
0xb1: {  	_ =	swait.ge [sflag:s31], $0x4000  }
0xb2: {  	[sflag:s31] =	ssyncset.done $0x0  }
0xb3: {  	[sflag:s31] =	ssyncadd.s32 $0xFFFFC000  }
0xb4: {  	[hbm4b:s14+s3] =	stream.linear.scatter [tilespmem:s2], [sflag:$0xA], $0x4000, $0x38;
	[tilespmem:$0x15C00] =	vst v63  }
0xb5: {  	_ =	swait.ge [sflag:s24], $0x4000  }
0xb6: {  	[sflag:s24] =	ssyncset.done $0x0  }
0xb7: {  	[sflag:s24] =	ssyncadd.s32 $0xFFFFC000  }
0xb8: {  	_ =	swait.ge [sflag:s28], $0x4000  }
0xb9: {  	[sflag:s28] =	ssyncset.done $0x0  }
0xba: {  	[sflag:s28] =	ssyncadd.s32 $0xFFFFC000  }
0xbb: {  	_ =	swait.ge [sflag:s4], $0x4000  }
0xbc: {  	[sflag:s4] =	ssyncset.done $0x0  }
0xbd: {  	s7 =	sadd.s32 $0x1, s7;
	[sflag:s4] =	ssyncadd.s32 $0xFFFFC000  }
0xbe: {  	p0 =	sne.s32 s7, s15;
	_ =	swait.ge [sflag:s5], $0x4000  }
.Ltmp1:
0xbf: {  	[sflag:s5] =	ssyncset.done $0x0;
	(pc) =	sbr.rel @p0 .LBB2_1-.Ltmp1, $4  }
0xc0: {  	[sflag:s5] =	ssyncadd.s32 $0xFFFFC000  }
0xc1: {  	_ =	swait.ge [sflag:s6], $0x4000  }
0xc2: {  	[sflag:s6] =	ssyncset.done $0x0  }
0xc3: {  	[sflag:s6] =	ssyncadd.s32 $0xFFFFC000  }
0xc4: {  	_ =	sfence.sel $0x180000  }
0xc5: {  	[bflag:$0x0] =	sbarrier.arrive $0xFFFF  }
0xc6: {  	_ =	strace $0x90000047  }
0xc7: {  	s0 =	stileid.u32;
	[bflag:$0x2] =	sbarrier.arrive $0xFFFF  }
0xc8: {  	p0 =	sne.s32 s0, $0x0;
	s0 =	rddreg [dreg:$0x3]  }
0xc9: {  	s0 =	sadd.s32 @!p0 $0x100000, s0  }
0xca: {  	[sflag:s0] =	ssyncadd.tile.s32 @!p0 $0x1;
	_ =	shalt  }
.Lfunc_end2:
_tile_overlayer_lowered:
.L_overlay_start_2:
0xcb: {  	(tag) =	ssettag $0x2  }
0xcc: {  	s0 =	rddreg [dreg:$0x0];
	s2 =	stileid.u32  }
0xcd: {  	s1 =	rddreg [dreg:$0x1];
	p0 =	sne.s32 s2, $0x0  }
0xce: {  	s3 =	rddreg [dreg:$0x2];
	[bflag:$0x3] =	sbarrier.arrive $0xFFFF;
	s2 =	simm.s32 @!p0 $0x1C0B  }
0xcf: {  	[timem:s3], [sflag:s2] =	dma.local @!p0 [hbm:s0], s1  }
0xd0: {  	s0 =	simm.s32 @!p0 $0xB  }
0xd1: {  	_ =	swait.ge @!p0 [sflag:s0], s1  }
0xd2: {  	s1 =	ssub.s32 @!p0 $0x0, s1;
	[sflag:s0] =	ssyncset.done @!p0 $0x0  }
0xd3: {  	[sflag:s0] =	ssyncadd.s32 @!p0 s1  }
0xd4: {  	[bflag:$0x3] =	sbarrier.arrive $0xFFFF  }
0xd5: {  	_ =	shalt  }

</sc_bundles>
